<compile_context>
chip_gen: v7x
topology: tpu7x:2x2x1
jax: 0.10.2.dev20260603
libtpu: 0.0.44.dev20260713+nightly
codegen_flags: <defaults>
</compile_context>

<pallas_src>
import functools

import jax
import jax.numpy as jnp
from jax import lax
from jax.experimental import pallas as pl
from jax.experimental.pallas import tpu as pltpu
from jax.experimental.pallas import tpu_sc as plsc

NC, NS, L = 2, 16, 16
NW = NC * NS
N_NODES = 10000
NP = 10240
D = 128
N_EDGES = 320000
EPW = 10240
NPE = NW * EPW
CH = 128
NCH = EPW // CH
NCQ = NCH // 8
RPT = NP // NS

_MESH = plsc.VectorSubcoreMesh(core_axis_name="c", subcore_axis_name="s")


def _deg_body(src_hbm, dst_hbm, ones_hbm, z1_hbm,
              outdeg_hbm, indeg_hbm,
              src_v, dst_v, ones_v, z1_v,
              outdeg_s, indeg_s):
    c = lax.axis_index("c")
    s = lax.axis_index("s")
    w = c * NS + s
    pltpu.sync_copy(z1_hbm, z1_v)
    pltpu.sync_copy(z1_v, outdeg_s.at[pl.ds(s * RPT, RPT)])
    pltpu.sync_copy(z1_v, indeg_s.at[pl.ds(s * RPT, RPT)])
    pltpu.sync_copy(ones_hbm, ones_v)
    pltpu.sync_copy(src_hbm.at[w], src_v)
    pltpu.sync_copy(dst_hbm.at[w], dst_v)
    plsc.subcore_barrier()

    def step(j, carry):
        q = j // 8
        r = j % 8
        pltpu.sync_copy(ones_v, outdeg_s.at[src_v.at[q, r]], add=True)
        pltpu.sync_copy(ones_v, indeg_s.at[dst_v.at[q, r]], add=True)
        return carry

    lax.fori_loop(0, NCH, step, 0)
    plsc.subcore_barrier()
    pltpu.sync_copy(outdeg_s.at[pl.ds(s * RPT, RPT)], z1_v)
    pltpu.sync_copy(z1_v, outdeg_hbm.at[c, pl.ds(s * RPT, RPT)])
    pltpu.sync_copy(indeg_s.at[pl.ds(s * RPT, RPT)], z1_v)
    pltpu.sync_copy(z1_v, indeg_hbm.at[c, pl.ds(s * RPT, RPT)])


_deg_kernel = functools.partial(
    pl.kernel,
    out_type=(
        jax.ShapeDtypeStruct((NC, NP), jnp.float32),
        jax.ShapeDtypeStruct((NC, NP), jnp.float32),
    ),
    mesh=_MESH,
    scratch_types=[
        pltpu.VMEM((NCQ, 8, CH), jnp.int32),
        pltpu.VMEM((NCQ, 8, CH), jnp.int32),
        pltpu.VMEM((CH,), jnp.float32),
        pltpu.VMEM((RPT,), jnp.float32),
        pltpu.VMEM_SHARED((NP,), jnp.float32),
        pltpu.VMEM_SHARED((NP,), jnp.float32),
    ],
)(_deg_body)


def _agg_body(src_hbm, dst_hbm, feat_hbm, z_hbm,
              agg_hbm,
              src_v, dst_v, rows_v, sem,
              acc_s):
    c = lax.axis_index("c")
    s = lax.axis_index("s")
    w = c * NS + s
    pltpu.sync_copy(z_hbm, rows_v)
    for k in range(RPT // CH):
        pltpu.sync_copy(rows_v, acc_s.at[pl.ds(s * RPT + k * CH, CH)])
    pltpu.sync_copy(src_hbm.at[w], src_v)
    pltpu.sync_copy(dst_hbm.at[w], dst_v)
    plsc.subcore_barrier()

    def step(j, carry):
        q = j // 8
        r = j % 8
        pltpu.async_copy(feat_hbm.at[src_v.at[q, r]], rows_v, sem).wait()
        pltpu.sync_copy(rows_v, acc_s.at[dst_v.at[q, r]], add=True)
        return carry

    lax.fori_loop(0, NCH, step, 0)
    plsc.subcore_barrier()
    for k in range(RPT // CH):
        pltpu.sync_copy(acc_s.at[pl.ds(s * RPT + k * CH, CH)], rows_v)
        pltpu.sync_copy(rows_v, agg_hbm.at[c, pl.ds(s * RPT + k * CH, CH)])


_agg_kernel = functools.partial(
    pl.kernel,
    out_type=jax.ShapeDtypeStruct((NC, NP, D), jnp.float32),
    mesh=_MESH,
    scratch_types=[
        pltpu.VMEM((NCQ, 8, CH), jnp.int32),
        pltpu.VMEM((NCQ, 8, CH), jnp.int32),
        pltpu.VMEM((CH, D), jnp.float32),
        pltpu.SemaphoreType.DMA,
        pltpu.VMEM_SHARED((NP, D), jnp.float32),
    ],
)(_agg_body)


R2 = 512
NB = NP // R2


def _scale_body(feat_ref, od_ref, fs_ref):
    od = od_ref[0] + od_ref[1]
    nl = lax.rsqrt(jnp.maximum(od, 1.0))
    fs_ref[...] = feat_ref[...] * nl


def _scale_call(feat_p, outdeg):
    return pl.pallas_call(
        _scale_body,
        grid=(NB,),
        in_specs=[
            pl.BlockSpec((R2, D), lambda b: (b, 0)),
            pl.BlockSpec((NC, R2, 1), lambda b: (0, b, 0)),
        ],
        out_specs=pl.BlockSpec((R2, D), lambda b: (b, 0)),
        out_shape=jax.ShapeDtypeStruct((NP, D), jnp.float32),
    )(feat_p, outdeg)


def _mm_body(agg_ref, id_ref, w_ref, b_ref, out_ref):
    a = agg_ref[0] + agg_ref[1]
    idg = id_ref[0] + id_ref[1]
    nr = lax.rsqrt(jnp.maximum(idg, 1.0))
    mm = jnp.dot(a, w_ref[...], preferred_element_type=jnp.float32)
    out_ref[...] = mm * nr + b_ref[...]


def _mm_call(agg, indeg, weight, bias2d):
    return pl.pallas_call(
        _mm_body,
        grid=(NB,),
        in_specs=[
            pl.BlockSpec((NC, R2, D), lambda b: (0, b, 0)),
            pl.BlockSpec((NC, R2, 1), lambda b: (0, b, 0)),
            pl.BlockSpec((D, D), lambda b: (0, 0)),
            pl.BlockSpec((1, D), lambda b: (0, 0)),
        ],
        out_specs=pl.BlockSpec((R2, D), lambda b: (b, 0)),
        out_shape=jax.ShapeDtypeStruct((NP, D), jnp.float32),
    )(agg, indeg, weight, bias2d)


def kernel(feat, edge_index, weight, bias):
    feat = feat.astype(jnp.float32)
    ei = edge_index.astype(jnp.int32)
    npad = NPE - N_EDGES
    padv = N_NODES + (jnp.arange(npad, dtype=jnp.int32) % L)
    src_p = jnp.concatenate([ei[0], padv]).reshape(NW, NCQ, 8, CH)
    dst_p = jnp.concatenate([ei[1], padv]).reshape(NW, NCQ, 8, CH)
    feat_p = jnp.pad(feat, ((0, NP - N_NODES), (0, 0)))

    ones1 = jnp.ones((CH,), jnp.float32)
    z1 = jnp.zeros((RPT,), jnp.float32)
    zrow = jnp.zeros((CH, D), jnp.float32)

    outdeg, indeg = _deg_kernel(src_p, dst_p, ones1, z1)
    feat_s = _scale_call(feat_p, outdeg.reshape(NC, NP, 1))
    agg = _agg_kernel(src_p, dst_p, feat_s, zrow)
    out = _mm_call(agg, indeg.reshape(NC, NP, 1), weight, bias.reshape(1, D))
    return out[:N_NODES]

# --- scband reference (transcript-rebuilt; emitter-appended) ---
"""Pipeline reference for scband-max-kgraph-conv-62388694942255 (READ-ONLY COPY).

The authoritative reference and input builder live on the scoring server;
editing this copy changes nothing except your own understanding.
"""

import jax, jax.numpy as jnp
import numpy as np

N_NODES = 10000
N_EDGES = 320000
D_IN = 128
D_OUT = 128


def setup_inputs(seed: int = 0) -> dict:
    key = jax.random.key(seed)
    k1, k2, k3, k4 = jax.random.split(key, 4)
    feat = jax.random.normal(k1, (N_NODES, D_IN), dtype=jnp.float32)
    edge_index = jax.random.randint(k2, (2, N_EDGES), 0, N_NODES, dtype=jnp.int64)
    # xavier_uniform for weight [in_feats, out_feats]
    limit = float(np.sqrt(6.0 / (D_IN + D_OUT)))
    weight = jax.random.uniform(k3, (D_IN, D_OUT), dtype=jnp.float32, minval=-limit, maxval=limit)
    bias = jnp.zeros((D_OUT,), dtype=jnp.float32)
    return {"feat": feat, "edge_index": edge_index, "weight": weight, "bias": bias}


def reference(feat, edge_index, weight, bias):
    # GraphConv (GCN) with norm='both', lin_before_mp = (in_feats > out_feats) = False
    # so: aggregate first, then matmul.
    src = edge_index[0]
    dst = edge_index[1]
    n = feat.shape[0]
    ones = jnp.ones((src.shape[0],), dtype=jnp.float32)
    out_deg = jax.ops.segment_sum(ones, src, num_segments=n)
    in_deg = jax.ops.segment_sum(ones, dst, num_segments=n)
    out_deg = jnp.clip(out_deg, 1.0, None)
    in_deg = jnp.clip(in_deg, 1.0, None)
    # left normalization: feat_src * out_deg^{-1/2}
    norm_l = jnp.power(out_deg, -0.5)[:, None]
    feat_src = feat * norm_l
    # message passing: sum of src features into dst (copy_u + sum)
    msg = feat_src[src]
    rst = jax.ops.segment_sum(msg, dst, num_segments=n)
    # linear after aggregation
    rst = jnp.matmul(rst, weight)
    # right normalization: rst * in_deg^{-1/2}
    norm_r = jnp.power(in_deg, -0.5)[:, None]
    rst = rst * norm_r
    rst = rst + bias
    return rst

if __name__ == "__main__":
    import jax
    _d = setup_inputs()
    print(jax.jit(kernel)(*tuple(_d.values())))

</pallas_src>

<mosaic_0001>
#map = affine_map<(d0, d1) -> (0, 0, 0, 0)>
#map1 = affine_map<(d0, d1) -> (0)>
#map2 = affine_map<(d0, d1) -> (0, 0)>
module attributes {stable_mosaic.version = 14 : i64} {
  func.func @_deg_body(%arg0: i32, %arg1: i32, %arg2: memref<32x10x8x128xi32, #tpu.memory_space<hbm>>, %arg3: memref<32x10x8x128xi32, #tpu.memory_space<hbm>>, %arg4: memref<128xf32, #tpu.memory_space<hbm>>, %arg5: memref<640xf32, #tpu.memory_space<hbm>>, %arg6: memref<2x10240xf32, #tpu.memory_space<hbm>>, %arg7: memref<2x10240xf32, #tpu.memory_space<hbm>>, %arg8: memref<10x8x128xi32, #tpu.memory_space<vmem>>, %arg9: memref<10x8x128xi32, #tpu.memory_space<vmem>>, %arg10: memref<128xf32, #tpu.memory_space<vmem>>, %arg11: memref<640xf32, #tpu.memory_space<vmem>>, %arg12: memref<10240xf32, #tpu.memory_space<vmem_shared>>, %arg13: memref<10240xf32, #tpu.memory_space<vmem_shared>>) attributes {dimension_semantics = [#tpu.dimension_semantics<core_parallel>, #tpu.dimension_semantics<subcore_parallel>], iteration_bounds = array<i64: 2, 16>, scalar_prefetch = 0 : i64, scratch_operands = 6 : i64, tpu.core_type = #tpu.core_type<sc_vector_subcore>, window_params = [{transform_indices = #map}, {transform_indices = #map}, {transform_indices = #map1}, {transform_indices = #map1}, {transform_indices = #map2}, {transform_indices = #map2}]} {
    %mul3A = arith.constant 16 : i32
    %mul3A_0 = arith.muli %arg0, %mul3A : i32
    %add3A = arith.addi %mul3A_0, %arg1 : i32
    "tpu.region"() ({
      %run_scoped3A = tpu.sem_alloc : memref<!tpu.dma_semaphore, #tpu.memory_space<semaphore_mem>>
      tpu.enqueue_dma source(%arg5 : memref<640xf32, #tpu.memory_space<hbm>>) target(%arg11 : memref<640xf32, #tpu.memory_space<vmem>>) target_semaphore(%run_scoped3A : memref<!tpu.dma_semaphore, #tpu.memory_space<semaphore_mem>>)
      tpu.wait_dma2 semaphore(%run_scoped3A : memref<!tpu.dma_semaphore, #tpu.memory_space<semaphore_mem>>) src(%arg5 : memref<640xf32, #tpu.memory_space<hbm>>) dst(%arg11 : memref<640xf32, #tpu.memory_space<vmem>>)
      tpu.yield
    }) : () -> ()
    %mul3A_1 = arith.constant 640 : i32
    %mul3A_2 = arith.muli %arg1, %mul3A_1 : i32
    "tpu.region"() ({
      %run_scoped3A = tpu.sem_alloc : memref<!tpu.dma_semaphore, #tpu.memory_space<semaphore_mem>>
      %dma_start3A = tpu.memref_slice %arg12[%mul3A_2] : memref<10240xf32, #tpu.memory_space<vmem_shared>> -> memref<640xf32, #tpu.memory_space<vmem_shared>>
      %dma_start3A_19 = tpu.memref_slice %arg12[%mul3A_2] : memref<10240xf32, #tpu.memory_space<vmem_shared>> -> memref<640xf32, #tpu.memory_space<vmem_shared>>
      tpu.enqueue_dma source(%arg11 : memref<640xf32, #tpu.memory_space<vmem>>) target(%dma_start3A_19 : memref<640xf32, #tpu.memory_space<vmem_shared>>) target_semaphore(%run_scoped3A : memref<!tpu.dma_semaphore, #tpu.memory_space<semaphore_mem>>)
      %dma_wait3A = tpu.memref_slice %arg12[%mul3A_2] : memref<10240xf32, #tpu.memory_space<vmem_shared>> -> memref<640xf32, #tpu.memory_space<vmem_shared>>
      %dma_wait3A_20 = tpu.memref_slice %arg12[%mul3A_2] : memref<10240xf32, #tpu.memory_space<vmem_shared>> -> memref<640xf32, #tpu.memory_space<vmem_shared>>
      tpu.wait_dma2 semaphore(%run_scoped3A : memref<!tpu.dma_semaphore, #tpu.memory_space<semaphore_mem>>) src(%arg11 : memref<640xf32, #tpu.memory_space<vmem>>) dst(%dma_wait3A_20 : memref<640xf32, #tpu.memory_space<vmem_shared>>)
      tpu.yield
    }) : () -> ()
    %mul3A_3 = arith.constant 640 : i32
    %mul3A_4 = arith.muli %arg1, %mul3A_3 : i32
    "tpu.region"() ({
      %run_scoped3A = tpu.sem_alloc : memref<!tpu.dma_semaphore, #tpu.memory_space<semaphore_mem>>
      %dma_start3A = tpu.memref_slice %arg13[%mul3A_4] : memref<10240xf32, #tpu.memory_space<vmem_shared>> -> memref<640xf32, #tpu.memory_space<vmem_shared>>
      %dma_start3A_19 = tpu.memref_slice %arg13[%mul3A_4] : memref<10240xf32, #tpu.memory_space<vmem_shared>> -> memref<640xf32, #tpu.memory_space<vmem_shared>>
      tpu.enqueue_dma source(%arg11 : memref<640xf32, #tpu.memory_space<vmem>>) target(%dma_start3A_19 : memref<640xf32, #tpu.memory_space<vmem_shared>>) target_semaphore(%run_scoped3A : memref<!tpu.dma_semaphore, #tpu.memory_space<semaphore_mem>>)
      %dma_wait3A = tpu.memref_slice %arg13[%mul3A_4] : memref<10240xf32, #tpu.memory_space<vmem_shared>> -> memref<640xf32, #tpu.memory_space<vmem_shared>>
      %dma_wait3A_20 = tpu.memref_slice %arg13[%mul3A_4] : memref<10240xf32, #tpu.memory_space<vmem_shared>> -> memref<640xf32, #tpu.memory_space<vmem_shared>>
      tpu.wait_dma2 semaphore(%run_scoped3A : memref<!tpu.dma_semaphore, #tpu.memory_space<semaphore_mem>>) src(%arg11 : memref<640xf32, #tpu.memory_space<vmem>>) dst(%dma_wait3A_20 : memref<640xf32, #tpu.memory_space<vmem_shared>>)
      tpu.yield
    }) : () -> ()
    "tpu.region"() ({
      %run_scoped3A = tpu.sem_alloc : memref<!tpu.dma_semaphore, #tpu.memory_space<semaphore_mem>>
      tpu.enqueue_dma source(%arg4 : memref<128xf32, #tpu.memory_space<hbm>>) target(%arg10 : memref<128xf32, #tpu.memory_space<vmem>>) target_semaphore(%run_scoped3A : memref<!tpu.dma_semaphore, #tpu.memory_space<semaphore_mem>>)
      tpu.wait_dma2 semaphore(%run_scoped3A : memref<!tpu.dma_semaphore, #tpu.memory_space<semaphore_mem>>) src(%arg4 : memref<128xf32, #tpu.memory_space<hbm>>) dst(%arg10 : memref<128xf32, #tpu.memory_space<vmem>>)
      tpu.yield
    }) : () -> ()
    "tpu.region"() ({
      %run_scoped3A = tpu.sem_alloc : memref<!tpu.dma_semaphore, #tpu.memory_space<semaphore_mem>>
      %dma_start3A = arith.constant 0 : i32
      %dma_start3A_19 = arith.constant 0 : i32
      %dma_start3A_20 = arith.constant 0 : i32
      %dma_start3A_21 = tpu.memref_slice %arg2[%add3A, %dma_start3A, %dma_start3A_19, %dma_start3A_20] : memref<32x10x8x128xi32, #tpu.memory_space<hbm>> -> memref<1x10x8x128xi32, #tpu.memory_space<hbm>>
      %dma_start3A_22 = tpu.memref_squeeze %dma_start3A_21 : memref<1x10x8x128xi32, #tpu.memory_space<hbm>> -> memref<10x8x128xi32, #tpu.memory_space<hbm>>
      %dma_start3A_23 = arith.constant 0 : i32
      %dma_start3A_24 = arith.constant 0 : i32
      %dma_start3A_25 = arith.constant 0 : i32
      %dma_start3A_26 = tpu.memref_slice %arg2[%add3A, %dma_start3A_23, %dma_start3A_24, %dma_start3A_25] : memref<32x10x8x128xi32, #tpu.memory_space<hbm>> -> memref<1x10x8x128xi32, #tpu.memory_space<hbm>>
      %dma_start3A_27 = tpu.memref_squeeze %dma_start3A_26 : memref<1x10x8x128xi32, #tpu.memory_space<hbm>> -> memref<10x8x128xi32, #tpu.memory_space<hbm>>
      tpu.enqueue_dma source(%dma_start3A_27 : memref<10x8x128xi32, #tpu.memory_space<hbm>>) target(%arg8 : memref<10x8x128xi32, #tpu.memory_space<vmem>>) target_semaphore(%run_scoped3A : memref<!tpu.dma_semaphore, #tpu.memory_space<semaphore_mem>>)
      %dma_wait3A = arith.constant 0 : i32
      %dma_wait3A_28 = arith.constant 0 : i32
      %dma_wait3A_29 = arith.constant 0 : i32
      %dma_wait3A_30 = tpu.memref_slice %arg2[%add3A, %dma_wait3A, %dma_wait3A_28, %dma_wait3A_29] : memref<32x10x8x128xi32, #tpu.memory_space<hbm>> -> memref<1x10x8x128xi32, #tpu.memory_space<hbm>>
      %dma_wait3A_31 = tpu.memref_squeeze %dma_wait3A_30 : memref<1x10x8x128xi32, #tpu.memory_space<hbm>> -> memref<10x8x128xi32, #tpu.memory_space<hbm>>
      %dma_wait3A_32 = arith.constant 0 : i32
      %dma_wait3A_33 = arith.constant 0 : i32
      %dma_wait3A_34 = arith.constant 0 : i32
      %dma_wait3A_35 = tpu.memref_slice %arg2[%add3A, %dma_wait3A_32, %dma_wait3A_33, %dma_wait3A_34] : memref<32x10x8x128xi32, #tpu.memory_space<hbm>> -> memref<1x10x8x128xi32, #tpu.memory_space<hbm>>
      %dma_wait3A_36 = tpu.memref_squeeze %dma_wait3A_35 : memref<1x10x8x128xi32, #tpu.memory_space<hbm>> -> memref<10x8x128xi32, #tpu.memory_space<hbm>>
      tpu.wait_dma2 semaphore(%run_scoped3A : memref<!tpu.dma_semaphore, #tpu.memory_space<semaphore_mem>>) src(%dma_wait3A_36 : memref<10x8x128xi32, #tpu.memory_space<hbm>>) dst(%arg8 : memref<10x8x128xi32, #tpu.memory_space<vmem>>)
      tpu.yield
    }) : () -> ()
    "tpu.region"() ({
      %run_scoped3A = tpu.sem_alloc : memref<!tpu.dma_semaphore, #tpu.memory_space<semaphore_mem>>
      %dma_start3A = arith.constant 0 : i32
      %dma_start3A_19 = arith.constant 0 : i32
      %dma_start3A_20 = arith.constant 0 : i32
      %dma_start3A_21 = tpu.memref_slice %arg3[%add3A, %dma_start3A, %dma_start3A_19, %dma_start3A_20] : memref<32x10x8x128xi32, #tpu.memory_space<hbm>> -> memref<1x10x8x128xi32, #tpu.memory_space<hbm>>
      %dma_start3A_22 = tpu.memref_squeeze %dma_start3A_21 : memref<1x10x8x128xi32, #tpu.memory_space<hbm>> -> memref<10x8x128xi32, #tpu.memory_space<hbm>>
      %dma_start3A_23 = arith.constant 0 : i32
      %dma_start3A_24 = arith.constant 0 : i32
      %dma_start3A_25 = arith.constant 0 : i32
      %dma_start3A_26 = tpu.memref_slice %arg3[%add3A, %dma_start3A_23, %dma_start3A_24, %dma_start3A_25] : memref<32x10x8x128xi32, #tpu.memory_space<hbm>> -> memref<1x10x8x128xi32, #tpu.memory_space<hbm>>
      %dma_start3A_27 = tpu.memref_squeeze %dma_start3A_26 : memref<1x10x8x128xi32, #tpu.memory_space<hbm>> -> memref<10x8x128xi32, #tpu.memory_space<hbm>>
      tpu.enqueue_dma source(%dma_start3A_27 : memref<10x8x128xi32, #tpu.memory_space<hbm>>) target(%arg9 : memref<10x8x128xi32, #tpu.memory_space<vmem>>) target_semaphore(%run_scoped3A : memref<!tpu.dma_semaphore, #tpu.memory_space<semaphore_mem>>)
      %dma_wait3A = arith.constant 0 : i32
      %dma_wait3A_28 = arith.constant 0 : i32
      %dma_wait3A_29 = arith.constant 0 : i32
      %dma_wait3A_30 = tpu.memref_slice %arg3[%add3A, %dma_wait3A, %dma_wait3A_28, %dma_wait3A_29] : memref<32x10x8x128xi32, #tpu.memory_space<hbm>> -> memref<1x10x8x128xi32, #tpu.memory_space<hbm>>
      %dma_wait3A_31 = tpu.memref_squeeze %dma_wait3A_30 : memref<1x10x8x128xi32, #tpu.memory_space<hbm>> -> memref<10x8x128xi32, #tpu.memory_space<hbm>>
      %dma_wait3A_32 = arith.constant 0 : i32
      %dma_wait3A_33 = arith.constant 0 : i32
      %dma_wait3A_34 = arith.constant 0 : i32
      %dma_wait3A_35 = tpu.memref_slice %arg3[%add3A, %dma_wait3A_32, %dma_wait3A_33, %dma_wait3A_34] : memref<32x10x8x128xi32, #tpu.memory_space<hbm>> -> memref<1x10x8x128xi32, #tpu.memory_space<hbm>>
      %dma_wait3A_36 = tpu.memref_squeeze %dma_wait3A_35 : memref<1x10x8x128xi32, #tpu.memory_space<hbm>> -> memref<10x8x128xi32, #tpu.memory_space<hbm>>
      tpu.wait_dma2 semaphore(%run_scoped3A : memref<!tpu.dma_semaphore, #tpu.memory_space<semaphore_mem>>) src(%dma_wait3A_36 : memref<10x8x128xi32, #tpu.memory_space<hbm>>) dst(%arg9 : memref<10x8x128xi32, #tpu.memory_space<vmem>>)
      tpu.yield
    }) : () -> ()
    %barrier3A = arith.constant 0 : index
    tpu.barrier barrier_id(%barrier3A)
    %scan3A = arith.constant 0 : i32
    %scan3A_5 = arith.constant 0 : i32
    %scan3A_6 = arith.constant 80 : i32
    %scan3A_7 = arith.addi %scan3A_5, %scan3A_6 : i32
    %scan3A_8 = arith.constant 1 : i32
    scf.for %scan3A_19 = %scan3A_5 to %scan3A_7 step %scan3A_8  : i32 {
      %jit3A = arith.constant 8 : i32
      %div3A = arith.divsi %scan3A_19, %jit3A : i32
      %sign3A = arith.constant 0 : i32
      %sign3A_20 = arith.cmpi sgt, %scan3A_19, %sign3A : i32
      %sign3A_21 = arith.extui %sign3A_20 : i1 to i32
      %sign3A_22 = arith.constant 0 : i32
      %sign3A_23 = arith.cmpi slt, %scan3A_19, %sign3A_22 : i32
      %sign3A_24 = arith.extui %sign3A_23 : i1 to i32
      %sign3A_25 = arith.subi %sign3A_21, %sign3A_24 : i32
      %sign3A_26 = arith.constant 0 : i32
      %sign3A_27 = arith.cmpi sgt, %jit3A, %sign3A_26 : i32
      %sign3A_28 = arith.extui %sign3A_27 : i1 to i32
      %sign3A_29 = arith.constant 0 : i32
      %sign3A_30 = arith.cmpi slt, %jit3A, %sign3A_29 : i32
      %sign3A_31 = arith.extui %sign3A_30 : i1 to i32
      %sign3A_32 = arith.subi %sign3A_28, %sign3A_31 : i32
      %ne3A = arith.cmpi ne, %sign3A_25, %sign3A_32 : i32
      %rem3A = arith.remsi %scan3A_19, %jit3A : i32
      %ne3A_33 = arith.constant 0 : i32
      %ne3A_34 = arith.cmpi ne, %rem3A, %ne3A_33 : i32
      %and3A = arith.andi %ne3A, %ne3A_34 : i1
      %sub3A = arith.constant 1 : i32
      %sub3A_35 = arith.subi %div3A, %sub3A : i32
      %select_n3A = arith.select %and3A, %sub3A_35, %div3A : i32
      %jit3A_36 = arith.constant 8 : i32
      %eq3A = arith.constant 0 : i32
      %eq3A_37 = arith.cmpi eq, %jit3A_36, %eq3A : i32
      %jit3A_38 = arith.constant 1 : i32
      %select_n3A_39 = arith.select %eq3A_37, %jit3A_38, %jit3A_36 : i32
      %rem3A_40 = arith.remsi %scan3A_19, %select_n3A_39 : i32
      %ne3A_41 = arith.constant 0 : i32
      %ne3A_42 = arith.cmpi ne, %rem3A_40, %ne3A_41 : i32
      %lt3A = arith.constant 0 : i32
      %lt3A_43 = arith.cmpi slt, %rem3A_40, %lt3A : i32
      %lt3A_44 = arith.constant 0 : i32
      %lt3A_45 = arith.cmpi slt, %select_n3A_39, %lt3A_44 : i32
      %ne3A_46 = arith.xori %lt3A_43, %lt3A_45 : i1
      %and3A_47 = arith.andi %ne3A_46, %ne3A_42 : i1
      %add3A_48 = arith.addi %rem3A_40, %select_n3A_39 : i32
      %select_n3A_49 = arith.select %and3A_47, %add3A_48, %rem3A_40 : i32
      "tpu.region"() ({
        %run_scoped3A = tpu.sem_alloc : memref<!tpu.dma_semaphore, #tpu.memory_space<semaphore_mem>>
        %dma_start3A = arith.constant 0 : i32
        %dma_start3A_50 = tpu.memref_slice %arg8[%select_n3A, %select_n3A_49, %dma_start3A] : memref<10x8x128xi32, #tpu.memory_space<vmem>> -> memref<1x1x128xi32, #tpu.memory_space<vmem>>
        %dma_start3A_51 = tpu.memref_squeeze %dma_start3A_50 : memref<1x1x128xi32, #tpu.memory_space<vmem>> -> memref<128xi32, #tpu.memory_space<vmem>>
        %dma_start3A_52 = arith.constant 0 : i32
        %dma_start3A_53 = tpu.memref_slice %arg12[%dma_start3A_52] : memref<10240xf32, #tpu.memory_space<vmem_shared>> -> memref<10240xf32, #tpu.memory_space<vmem_shared>>
        tpu.enqueue_indirect_dma source(%arg10 : memref<128xf32, #tpu.memory_space<vmem>>) target(%dma_start3A_53 : memref<10240xf32, #tpu.memory_space<vmem_shared>>) offsets(%dma_start3A_51 : memref<128xi32, #tpu.memory_space<vmem>>) semaphore(%run_scoped3A : memref<!tpu.dma_semaphore, #tpu.memory_space<semaphore_mem>>) {add = true}
        %dma_wait3A = arith.constant 0 : i32
        %dma_wait3A_54 = tpu.memref_slice %arg8[%select_n3A, %select_n3A_49, %dma_wait3A] : memref<10x8x128xi32, #tpu.memory_space<vmem>> -> memref<1x1x128xi32, #tpu.memory_space<vmem>>
        %dma_wait3A_55 = tpu.memref_squeeze %dma_wait3A_54 : memref<1x1x128xi32, #tpu.memory_space<vmem>> -> memref<128xi32, #tpu.memory_space<vmem>>
        %dma_wait3A_56 = arith.constant 0 : i32
        %dma_wait3A_57 = tpu.memref_slice %arg12[%dma_wait3A_56] : memref<10240xf32, #tpu.memory_space<vmem_shared>> -> memref<10240xf32, #tpu.memory_space<vmem_shared>>
        tpu.wait_indirect_dma semaphore(%run_scoped3A : memref<!tpu.dma_semaphore, #tpu.memory_space<semaphore_mem>>) src(%arg10 : memref<128xf32, #tpu.memory_space<vmem>>) dst(%dma_wait3A_57 : memref<10240xf32, #tpu.memory_space<vmem_shared>>)
        tpu.yield
      }) : () -> ()
      "tpu.region"() ({
        %run_scoped3A = tpu.sem_alloc : memref<!tpu.dma_semaphore, #tpu.memory_space<semaphore_mem>>
        %dma_start3A = arith.constant 0 : i32
        %dma_start3A_50 = tpu.memref_slice %arg9[%select_n3A, %select_n3A_49, %dma_start3A] : memref<10x8x128xi32, #tpu.memory_space<vmem>> -> memref<1x1x128xi32, #tpu.memory_space<vmem>>
        %dma_start3A_51 = tpu.memref_squeeze %dma_start3A_50 : memref<1x1x128xi32, #tpu.memory_space<vmem>> -> memref<128xi32, #tpu.memory_space<vmem>>
        %dma_start3A_52 = arith.constant 0 : i32
        %dma_start3A_53 = tpu.memref_slice %arg13[%dma_start3A_52] : memref<10240xf32, #tpu.memory_space<vmem_shared>> -> memref<10240xf32, #tpu.memory_space<vmem_shared>>
        tpu.enqueue_indirect_dma source(%arg10 : memref<128xf32, #tpu.memory_space<vmem>>) target(%dma_start3A_53 : memref<10240xf32, #tpu.memory_space<vmem_shared>>) offsets(%dma_start3A_51 : memref<128xi32, #tpu.memory_space<vmem>>) semaphore(%run_scoped3A : memref<!tpu.dma_semaphore, #tpu.memory_space<semaphore_mem>>) {add = true}
        %dma_wait3A = arith.constant 0 : i32
        %dma_wait3A_54 = tpu.memref_slice %arg9[%select_n3A, %select_n3A_49, %dma_wait3A] : memref<10x8x128xi32, #tpu.memory_space<vmem>> -> memref<1x1x128xi32, #tpu.memory_space<vmem>>
        %dma_wait3A_55 = tpu.memref_squeeze %dma_wait3A_54 : memref<1x1x128xi32, #tpu.memory_space<vmem>> -> memref<128xi32, #tpu.memory_space<vmem>>
        %dma_wait3A_56 = arith.constant 0 : i32
        %dma_wait3A_57 = tpu.memref_slice %arg13[%dma_wait3A_56] : memref<10240xf32, #tpu.memory_space<vmem_shared>> -> memref<10240xf32, #tpu.memory_space<vmem_shared>>
        tpu.wait_indirect_dma semaphore(%run_scoped3A : memref<!tpu.dma_semaphore, #tpu.memory_space<semaphore_mem>>) src(%arg10 : memref<128xf32, #tpu.memory_space<vmem>>) dst(%dma_wait3A_57 : memref<10240xf32, #tpu.memory_space<vmem_shared>>)
        tpu.yield
      }) : () -> ()
    }
    %scan3A_9 = arith.constant 80 : i32
    %barrier3A_10 = arith.constant 0 : index
    tpu.barrier barrier_id(%barrier3A_10)
    %mul3A_11 = arith.constant 640 : i32
    %mul3A_12 = arith.muli %arg1, %mul3A_11 : i32
    "tpu.region"() ({
      %run_scoped3A = tpu.sem_alloc : memref<!tpu.dma_semaphore, #tpu.memory_space<semaphore_mem>>
      %dma_start3A = tpu.memref_slice %arg12[%mul3A_12] : memref<10240xf32, #tpu.memory_space<vmem_shared>> -> memref<640xf32, #tpu.memory_space<vmem_shared>>
      %dma_start3A_19 = tpu.memref_slice %arg12[%mul3A_12] : memref<10240xf32, #tpu.memory_space<vmem_shared>> -> memref<640xf32, #tpu.memory_space<vmem_shared>>
      tpu.enqueue_dma source(%dma_start3A_19 : memref<640xf32, #tpu.memory_space<vmem_shared>>) target(%arg11 : memref<640xf32, #tpu.memory_space<vmem>>) target_semaphore(%run_scoped3A : memref<!tpu.dma_semaphore, #tpu.memory_space<semaphore_mem>>)
      %dma_wait3A = tpu.memref_slice %arg12[%mul3A_12] : memref<10240xf32, #tpu.memory_space<vmem_shared>> -> memref<640xf32, #tpu.memory_space<vmem_shared>>
      %dma_wait3A_20 = tpu.memref_slice %arg12[%mul3A_12] : memref<10240xf32, #tpu.memory_space<vmem_shared>> -> memref<640xf32, #tpu.memory_space<vmem_shared>>
      tpu.wait_dma2 semaphore(%run_scoped3A : memref<!tpu.dma_semaphore, #tpu.memory_space<semaphore_mem>>) src(%dma_wait3A_20 : memref<640xf32, #tpu.memory_space<vmem_shared>>) dst(%arg11 : memref<640xf32, #tpu.memory_space<vmem>>)
      tpu.yield
    }) : () -> ()
    %mul3A_13 = arith.constant 640 : i32
    %mul3A_14 = arith.muli %arg1, %mul3A_13 : i32
    "tpu.region"() ({
      %run_scoped3A = tpu.sem_alloc : memref<!tpu.dma_semaphore, #tpu.memory_space<semaphore_mem>>
      %dma_start3A = tpu.memref_slice %arg6[%arg0, %mul3A_14] : memref<2x10240xf32, #tpu.memory_space<hbm>> -> memref<1x640xf32, #tpu.memory_space<hbm>>
      %dma_start3A_19 = tpu.memref_squeeze %dma_start3A : memref<1x640xf32, #tpu.memory_space<hbm>> -> memref<640xf32, #tpu.memory_space<hbm>>
      %dma_start3A_20 = tpu.memref_slice %arg6[%arg0, %mul3A_14] : memref<2x10240xf32, #tpu.memory_space<hbm>> -> memref<1x640xf32, #tpu.memory_space<hbm>>
      %dma_start3A_21 = tpu.memref_squeeze %dma_start3A_20 : memref<1x640xf32, #tpu.memory_space<hbm>> -> memref<640xf32, #tpu.memory_space<hbm>>
      tpu.enqueue_dma source(%arg11 : memref<640xf32, #tpu.memory_space<vmem>>) target(%dma_start3A_21 : memref<640xf32, #tpu.memory_space<hbm>>) target_semaphore(%run_scoped3A : memref<!tpu.dma_semaphore, #tpu.memory_space<semaphore_mem>>)
      %dma_wait3A = tpu.memref_slice %arg6[%arg0, %mul3A_14] : memref<2x10240xf32, #tpu.memory_space<hbm>> -> memref<1x640xf32, #tpu.memory_space<hbm>>
      %dma_wait3A_22 = tpu.memref_squeeze %dma_wait3A : memref<1x640xf32, #tpu.memory_space<hbm>> -> memref<640xf32, #tpu.memory_space<hbm>>
      %dma_wait3A_23 = tpu.memref_slice %arg6[%arg0, %mul3A_14] : memref<2x10240xf32, #tpu.memory_space<hbm>> -> memref<1x640xf32, #tpu.memory_space<hbm>>
      %dma_wait3A_24 = tpu.memref_squeeze %dma_wait3A_23 : memref<1x640xf32, #tpu.memory_space<hbm>> -> memref<640xf32, #tpu.memory_space<hbm>>
      tpu.wait_dma2 semaphore(%run_scoped3A : memref<!tpu.dma_semaphore, #tpu.memory_space<semaphore_mem>>) src(%arg11 : memref<640xf32, #tpu.memory_space<vmem>>) dst(%dma_wait3A_24 : memref<640xf32, #tpu.memory_space<hbm>>)
      tpu.yield
    }) : () -> ()
    %mul3A_15 = arith.constant 640 : i32
    %mul3A_16 = arith.muli %arg1, %mul3A_15 : i32
    "tpu.region"() ({
      %run_scoped3A = tpu.sem_alloc : memref<!tpu.dma_semaphore, #tpu.memory_space<semaphore_mem>>
      %dma_start3A = tpu.memref_slice %arg13[%mul3A_16] : memref<10240xf32, #tpu.memory_space<vmem_shared>> -> memref<640xf32, #tpu.memory_space<vmem_shared>>
      %dma_start3A_19 = tpu.memref_slice %arg13[%mul3A_16] : memref<10240xf32, #tpu.memory_space<vmem_shared>> -> memref<640xf32, #tpu.memory_space<vmem_shared>>
      tpu.enqueue_dma source(%dma_start3A_19 : memref<640xf32, #tpu.memory_space<vmem_shared>>) target(%arg11 : memref<640xf32, #tpu.memory_space<vmem>>) target_semaphore(%run_scoped3A : memref<!tpu.dma_semaphore, #tpu.memory_space<semaphore_mem>>)
      %dma_wait3A = tpu.memref_slice %arg13[%mul3A_16] : memref<10240xf32, #tpu.memory_space<vmem_shared>> -> memref<640xf32, #tpu.memory_space<vmem_shared>>
      %dma_wait3A_20 = tpu.memref_slice %arg13[%mul3A_16] : memref<10240xf32, #tpu.memory_space<vmem_shared>> -> memref<640xf32, #tpu.memory_space<vmem_shared>>
      tpu.wait_dma2 semaphore(%run_scoped3A : memref<!tpu.dma_semaphore, #tpu.memory_space<semaphore_mem>>) src(%dma_wait3A_20 : memref<640xf32, #tpu.memory_space<vmem_shared>>) dst(%arg11 : memref<640xf32, #tpu.memory_space<vmem>>)
      tpu.yield
    }) : () -> ()
    %mul3A_17 = arith.constant 640 : i32
    %mul3A_18 = arith.muli %arg1, %mul3A_17 : i32
    "tpu.region"() ({
      %run_scoped3A = tpu.sem_alloc : memref<!tpu.dma_semaphore, #tpu.memory_space<semaphore_mem>>
      %dma_start3A = tpu.memref_slice %arg7[%arg0, %mul3A_18] : memref<2x10240xf32, #tpu.memory_space<hbm>> -> memref<1x640xf32, #tpu.memory_space<hbm>>
      %dma_start3A_19 = tpu.memref_squeeze %dma_start3A : memref<1x640xf32, #tpu.memory_space<hbm>> -> memref<640xf32, #tpu.memory_space<hbm>>
      %dma_start3A_20 = tpu.memref_slice %arg7[%arg0, %mul3A_18] : memref<2x10240xf32, #tpu.memory_space<hbm>> -> memref<1x640xf32, #tpu.memory_space<hbm>>
      %dma_start3A_21 = tpu.memref_squeeze %dma_start3A_20 : memref<1x640xf32, #tpu.memory_space<hbm>> -> memref<640xf32, #tpu.memory_space<hbm>>
      tpu.enqueue_dma source(%arg11 : memref<640xf32, #tpu.memory_space<vmem>>) target(%dma_start3A_21 : memref<640xf32, #tpu.memory_space<hbm>>) target_semaphore(%run_scoped3A : memref<!tpu.dma_semaphore, #tpu.memory_space<semaphore_mem>>)
      %dma_wait3A = tpu.memref_slice %arg7[%arg0, %mul3A_18] : memref<2x10240xf32, #tpu.memory_space<hbm>> -> memref<1x640xf32, #tpu.memory_space<hbm>>
      %dma_wait3A_22 = tpu.memref_squeeze %dma_wait3A : memref<1x640xf32, #tpu.memory_space<hbm>> -> memref<640xf32, #tpu.memory_space<hbm>>
      %dma_wait3A_23 = tpu.memref_slice %arg7[%arg0, %mul3A_18] : memref<2x10240xf32, #tpu.memory_space<hbm>> -> memref<1x640xf32, #tpu.memory_space<hbm>>
      %dma_wait3A_24 = tpu.memref_squeeze %dma_wait3A_23 : memref<1x640xf32, #tpu.memory_space<hbm>> -> memref<640xf32, #tpu.memory_space<hbm>>
      tpu.wait_dma2 semaphore(%run_scoped3A : memref<!tpu.dma_semaphore, #tpu.memory_space<semaphore_mem>>) src(%arg11 : memref<640xf32, #tpu.memory_space<vmem>>) dst(%dma_wait3A_24 : memref<640xf32, #tpu.memory_space<hbm>>)
      tpu.yield
    }) : () -> ()
    return
  }
}

#map = affine_map<(d0, d1) -> (0, 0, 0, 0)>
#map1 = affine_map<(d0, d1) -> (0, 0)>
#map2 = affine_map<(d0, d1) -> (0, 0, 0)>
module attributes {stable_mosaic.version = 14 : i64} {
  func.func @_agg_body(%arg0: i32, %arg1: i32, %arg2: memref<32x10x8x128xi32, #tpu.memory_space<hbm>>, %arg3: memref<32x10x8x128xi32, #tpu.memory_space<hbm>>, %arg4: memref<10240x128xf32, #tpu.memory_space<hbm>>, %arg5: memref<128x128xf32, #tpu.memory_space<hbm>>, %arg6: memref<2x10240x128xf32, #tpu.memory_space<hbm>>, %arg7: memref<10x8x128xi32, #tpu.memory_space<vmem>>, %arg8: memref<10x8x128xi32, #tpu.memory_space<vmem>>, %arg9: memref<128x128xf32, #tpu.memory_space<vmem>>, %arg10: memref<!tpu.dma_semaphore, #tpu.memory_space<semaphore_mem>>, %arg11: memref<10240x128xf32, #tpu.memory_space<vmem_shared>>) attributes {dimension_semantics = [#tpu.dimension_semantics<core_parallel>, #tpu.dimension_semantics<subcore_parallel>], iteration_bounds = array<i64: 2, 16>, scalar_prefetch = 0 : i64, scratch_operands = 5 : i64, tpu.core_type = #tpu.core_type<sc_vector_subcore>, window_params = [{transform_indices = #map}, {transform_indices = #map}, {transform_indices = #map1}, {transform_indices = #map1}, {transform_indices = #map2}]} {
    %mul3A = arith.constant 16 : i32
    %mul3A_0 = arith.muli %arg0, %mul3A : i32
    %add3A = arith.addi %mul3A_0, %arg1 : i32
    "tpu.region"() ({
      %run_scoped3A = tpu.sem_alloc : memref<!tpu.dma_semaphore, #tpu.memory_space<semaphore_mem>>
      tpu.enqueue_dma source(%arg5 : memref<128x128xf32, #tpu.memory_space<hbm>>) target(%arg9 : memref<128x128xf32, #tpu.memory_space<vmem>>) target_semaphore(%run_scoped3A : memref<!tpu.dma_semaphore, #tpu.memory_space<semaphore_mem>>)
      tpu.wait_dma2 semaphore(%run_scoped3A : memref<!tpu.dma_semaphore, #tpu.memory_space<semaphore_mem>>) src(%arg5 : memref<128x128xf32, #tpu.memory_space<hbm>>) dst(%arg9 : memref<128x128xf32, #tpu.memory_space<vmem>>)
      tpu.yield
    }) : () -> ()
    %mul3A_1 = arith.constant 640 : i32
    %mul3A_2 = arith.muli %arg1, %mul3A_1 : i32
    %add3A_3 = arith.constant 0 : i32
    %add3A_4 = arith.addi %mul3A_2, %add3A_3 : i32
    "tpu.region"() ({
      %run_scoped3A = tpu.sem_alloc : memref<!tpu.dma_semaphore, #tpu.memory_space<semaphore_mem>>
      %dma_start3A = arith.constant 0 : i32
      %dma_start3A_67 = tpu.memref_slice %arg11[%add3A_4, %dma_start3A] : memref<10240x128xf32, #tpu.memory_space<vmem_shared>> -> memref<128x128xf32, #tpu.memory_space<vmem_shared>>
      %dma_start3A_68 = arith.constant 0 : i32
      %dma_start3A_69 = tpu.memref_slice %arg11[%add3A_4, %dma_start3A_68] : memref<10240x128xf32, #tpu.memory_space<vmem_shared>> -> memref<128x128xf32, #tpu.memory_space<vmem_shared>>
      tpu.enqueue_dma source(%arg9 : memref<128x128xf32, #tpu.memory_space<vmem>>) target(%dma_start3A_69 : memref<128x128xf32, #tpu.memory_space<vmem_shared>>) target_semaphore(%run_scoped3A : memref<!tpu.dma_semaphore, #tpu.memory_space<semaphore_mem>>)
      %dma_wait3A = arith.constant 0 : i32
      %dma_wait3A_70 = tpu.memref_slice %arg11[%add3A_4, %dma_wait3A] : memref<10240x128xf32, #tpu.memory_space<vmem_shared>> -> memref<128x128xf32, #tpu.memory_space<vmem_shared>>
      %dma_wait3A_71 = arith.constant 0 : i32
      %dma_wait3A_72 = tpu.memref_slice %arg11[%add3A_4, %dma_wait3A_71] : memref<10240x128xf32, #tpu.memory_space<vmem_shared>> -> memref<128x128xf32, #tpu.memory_space<vmem_shared>>
      tpu.wait_dma2 semaphore(%run_scoped3A : memref<!tpu.dma_semaphore, #tpu.memory_space<semaphore_mem>>) src(%arg9 : memref<128x128xf32, #tpu.memory_space<vmem>>) dst(%dma_wait3A_72 : memref<128x128xf32, #tpu.memory_space<vmem_shared>>)
      tpu.yield
    }) : () -> ()
    %mul3A_5 = arith.constant 640 : i32
    %mul3A_6 = arith.muli %arg1, %mul3A_5 : i32
    %add3A_7 = arith.constant 128 : i32
    %add3A_8 = arith.addi %mul3A_6, %add3A_7 : i32
    "tpu.region"() ({
      %run_scoped3A = tpu.sem_alloc : memref<!tpu.dma_semaphore, #tpu.memory_space<semaphore_mem>>
      %dma_start3A = arith.constant 0 : i32
      %dma_start3A_67 = tpu.memref_slice %arg11[%add3A_8, %dma_start3A] : memref<10240x128xf32, #tpu.memory_space<vmem_shared>> -> memref<128x128xf32, #tpu.memory_space<vmem_shared>>
      %dma_start3A_68 = arith.constant 0 : i32
      %dma_start3A_69 = tpu.memref_slice %arg11[%add3A_8, %dma_start3A_68] : memref<10240x128xf32, #tpu.memory_space<vmem_shared>> -> memref<128x128xf32, #tpu.memory_space<vmem_shared>>
      tpu.enqueue_dma source(%arg9 : memref<128x128xf32, #tpu.memory_space<vmem>>) target(%dma_start3A_69 : memref<128x128xf32, #tpu.memory_space<vmem_shared>>) target_semaphore(%run_scoped3A : memref<!tpu.dma_semaphore, #tpu.memory_space<semaphore_mem>>)
      %dma_wait3A = arith.constant 0 : i32
      %dma_wait3A_70 = tpu.memref_slice %arg11[%add3A_8, %dma_wait3A] : memref<10240x128xf32, #tpu.memory_space<vmem_shared>> -> memref<128x128xf32, #tpu.memory_space<vmem_shared>>
      %dma_wait3A_71 = arith.constant 0 : i32
      %dma_wait3A_72 = tpu.memref_slice %arg11[%add3A_8, %dma_wait3A_71] : memref<10240x128xf32, #tpu.memory_space<vmem_shared>> -> memref<128x128xf32, #tpu.memory_space<vmem_shared>>
      tpu.wait_dma2 semaphore(%run_scoped3A : memref<!tpu.dma_semaphore, #tpu.memory_space<semaphore_mem>>) src(%arg9 : memref<128x128xf32, #tpu.memory_space<vmem>>) dst(%dma_wait3A_72 : memref<128x128xf32, #tpu.memory_space<vmem_shared>>)
      tpu.yield
    }) : () -> ()
    %mul3A_9 = arith.constant 640 : i32
    %mul3A_10 = arith.muli %arg1, %mul3A_9 : i32
    %add3A_11 = arith.constant 256 : i32
    %add3A_12 = arith.addi %mul3A_10, %add3A_11 : i32
    "tpu.region"() ({
      %run_scoped3A = tpu.sem_alloc : memref<!tpu.dma_semaphore, #tpu.memory_space<semaphore_mem>>
      %dma_start3A = arith.constant 0 : i32
      %dma_start3A_67 = tpu.memref_slice %arg11[%add3A_12, %dma_start3A] : memref<10240x128xf32, #tpu.memory_space<vmem_shared>> -> memref<128x128xf32, #tpu.memory_space<vmem_shared>>
      %dma_start3A_68 = arith.constant 0 : i32
      %dma_start3A_69 = tpu.memref_slice %arg11[%add3A_12, %dma_start3A_68] : memref<10240x128xf32, #tpu.memory_space<vmem_shared>> -> memref<128x128xf32, #tpu.memory_space<vmem_shared>>
      tpu.enqueue_dma source(%arg9 : memref<128x128xf32, #tpu.memory_space<vmem>>) target(%dma_start3A_69 : memref<128x128xf32, #tpu.memory_space<vmem_shared>>) target_semaphore(%run_scoped3A : memref<!tpu.dma_semaphore, #tpu.memory_space<semaphore_mem>>)
      %dma_wait3A = arith.constant 0 : i32
      %dma_wait3A_70 = tpu.memref_slice %arg11[%add3A_12, %dma_wait3A] : memref<10240x128xf32, #tpu.memory_space<vmem_shared>> -> memref<128x128xf32, #tpu.memory_space<vmem_shared>>
      %dma_wait3A_71 = arith.constant 0 : i32
      %dma_wait3A_72 = tpu.memref_slice %arg11[%add3A_12, %dma_wait3A_71] : memref<10240x128xf32, #tpu.memory_space<vmem_shared>> -> memref<128x128xf32, #tpu.memory_space<vmem_shared>>
      tpu.wait_dma2 semaphore(%run_scoped3A : memref<!tpu.dma_semaphore, #tpu.memory_space<semaphore_mem>>) src(%arg9 : memref<128x128xf32, #tpu.memory_space<vmem>>) dst(%dma_wait3A_72 : memref<128x128xf32, #tpu.memory_space<vmem_shared>>)
      tpu.yield
    }) : () -> ()
    %mul3A_13 = arith.constant 640 : i32
    %mul3A_14 = arith.muli %arg1, %mul3A_13 : i32
    %add3A_15 = arith.constant 384 : i32
    %add3A_16 = arith.addi %mul3A_14, %add3A_15 : i32
    "tpu.region"() ({
      %run_scoped3A = tpu.sem_alloc : memref<!tpu.dma_semaphore, #tpu.memory_space<semaphore_mem>>
      %dma_start3A = arith.constant 0 : i32
      %dma_start3A_67 = tpu.memref_slice %arg11[%add3A_16, %dma_start3A] : memref<10240x128xf32, #tpu.memory_space<vmem_shared>> -> memref<128x128xf32, #tpu.memory_space<vmem_shared>>
      %dma_start3A_68 = arith.constant 0 : i32
      %dma_start3A_69 = tpu.memref_slice %arg11[%add3A_16, %dma_start3A_68] : memref<10240x128xf32, #tpu.memory_space<vmem_shared>> -> memref<128x128xf32, #tpu.memory_space<vmem_shared>>
      tpu.enqueue_dma source(%arg9 : memref<128x128xf32, #tpu.memory_space<vmem>>) target(%dma_start3A_69 : memref<128x128xf32, #tpu.memory_space<vmem_shared>>) target_semaphore(%run_scoped3A : memref<!tpu.dma_semaphore, #tpu.memory_space<semaphore_mem>>)
      %dma_wait3A = arith.constant 0 : i32
      %dma_wait3A_70 = tpu.memref_slice %arg11[%add3A_16, %dma_wait3A] : memref<10240x128xf32, #tpu.memory_space<vmem_shared>> -> memref<128x128xf32, #tpu.memory_space<vmem_shared>>
      %dma_wait3A_71 = arith.constant 0 : i32
      %dma_wait3A_72 = tpu.memref_slice %arg11[%add3A_16, %dma_wait3A_71] : memref<10240x128xf32, #tpu.memory_space<vmem_shared>> -> memref<128x128xf32, #tpu.memory_space<vmem_shared>>
      tpu.wait_dma2 semaphore(%run_scoped3A : memref<!tpu.dma_semaphore, #tpu.memory_space<semaphore_mem>>) src(%arg9 : memref<128x128xf32, #tpu.memory_space<vmem>>) dst(%dma_wait3A_72 : memref<128x128xf32, #tpu.memory_space<vmem_shared>>)
      tpu.yield
    }) : () -> ()
    %mul3A_17 = arith.constant 640 : i32
    %mul3A_18 = arith.muli %arg1, %mul3A_17 : i32
    %add3A_19 = arith.constant 512 : i32
    %add3A_20 = arith.addi %mul3A_18, %add3A_19 : i32
    "tpu.region"() ({
      %run_scoped3A = tpu.sem_alloc : memref<!tpu.dma_semaphore, #tpu.memory_space<semaphore_mem>>
      %dma_start3A = arith.constant 0 : i32
      %dma_start3A_67 = tpu.memref_slice %arg11[%add3A_20, %dma_start3A] : memref<10240x128xf32, #tpu.memory_space<vmem_shared>> -> memref<128x128xf32, #tpu.memory_space<vmem_shared>>
      %dma_start3A_68 = arith.constant 0 : i32
      %dma_start3A_69 = tpu.memref_slice %arg11[%add3A_20, %dma_start3A_68] : memref<10240x128xf32, #tpu.memory_space<vmem_shared>> -> memref<128x128xf32, #tpu.memory_space<vmem_shared>>
      tpu.enqueue_dma source(%arg9 : memref<128x128xf32, #tpu.memory_space<vmem>>) target(%dma_start3A_69 : memref<128x128xf32, #tpu.memory_space<vmem_shared>>) target_semaphore(%run_scoped3A : memref<!tpu.dma_semaphore, #tpu.memory_space<semaphore_mem>>)
      %dma_wait3A = arith.constant 0 : i32
      %dma_wait3A_70 = tpu.memref_slice %arg11[%add3A_20, %dma_wait3A] : memref<10240x128xf32, #tpu.memory_space<vmem_shared>> -> memref<128x128xf32, #tpu.memory_space<vmem_shared>>
      %dma_wait3A_71 = arith.constant 0 : i32
      %dma_wait3A_72 = tpu.memref_slice %arg11[%add3A_20, %dma_wait3A_71] : memref<10240x128xf32, #tpu.memory_space<vmem_shared>> -> memref<128x128xf32, #tpu.memory_space<vmem_shared>>
      tpu.wait_dma2 semaphore(%run_scoped3A : memref<!tpu.dma_semaphore, #tpu.memory_space<semaphore_mem>>) src(%arg9 : memref<128x128xf32, #tpu.memory_space<vmem>>) dst(%dma_wait3A_72 : memref<128x128xf32, #tpu.memory_space<vmem_shared>>)
      tpu.yield
    }) : () -> ()
    "tpu.region"() ({
      %run_scoped3A = tpu.sem_alloc : memref<!tpu.dma_semaphore, #tpu.memory_space<semaphore_mem>>
      %dma_start3A = arith.constant 0 : i32
      %dma_start3A_67 = arith.constant 0 : i32
      %dma_start3A_68 = arith.constant 0 : i32
      %dma_start3A_69 = tpu.memref_slice %arg2[%add3A, %dma_start3A, %dma_start3A_67, %dma_start3A_68] : memref<32x10x8x128xi32, #tpu.memory_space<hbm>> -> memref<1x10x8x128xi32, #tpu.memory_space<hbm>>
      %dma_start3A_70 = tpu.memref_squeeze %dma_start3A_69 : memref<1x10x8x128xi32, #tpu.memory_space<hbm>> -> memref<10x8x128xi32, #tpu.memory_space<hbm>>
      %dma_start3A_71 = arith.constant 0 : i32
      %dma_start3A_72 = arith.constant 0 : i32
      %dma_start3A_73 = arith.constant 0 : i32
      %dma_start3A_74 = tpu.memref_slice %arg2[%add3A, %dma_start3A_71, %dma_start3A_72, %dma_start3A_73] : memref<32x10x8x128xi32, #tpu.memory_space<hbm>> -> memref<1x10x8x128xi32, #tpu.memory_space<hbm>>
      %dma_start3A_75 = tpu.memref_squeeze %dma_start3A_74 : memref<1x10x8x128xi32, #tpu.memory_space<hbm>> -> memref<10x8x128xi32, #tpu.memory_space<hbm>>
      tpu.enqueue_dma source(%dma_start3A_75 : memref<10x8x128xi32, #tpu.memory_space<hbm>>) target(%arg7 : memref<10x8x128xi32, #tpu.memory_space<vmem>>) target_semaphore(%run_scoped3A : memref<!tpu.dma_semaphore, #tpu.memory_space<semaphore_mem>>)
      %dma_wait3A = arith.constant 0 : i32
      %dma_wait3A_76 = arith.constant 0 : i32
      %dma_wait3A_77 = arith.constant 0 : i32
      %dma_wait3A_78 = tpu.memref_slice %arg2[%add3A, %dma_wait3A, %dma_wait3A_76, %dma_wait3A_77] : memref<32x10x8x128xi32, #tpu.memory_space<hbm>> -> memref<1x10x8x128xi32, #tpu.memory_space<hbm>>
      %dma_wait3A_79 = tpu.memref_squeeze %dma_wait3A_78 : memref<1x10x8x128xi32, #tpu.memory_space<hbm>> -> memref<10x8x128xi32, #tpu.memory_space<hbm>>
      %dma_wait3A_80 = arith.constant 0 : i32
      %dma_wait3A_81 = arith.constant 0 : i32
      %dma_wait3A_82 = arith.constant 0 : i32
      %dma_wait3A_83 = tpu.memref_slice %arg2[%add3A, %dma_wait3A_80, %dma_wait3A_81, %dma_wait3A_82] : memref<32x10x8x128xi32, #tpu.memory_space<hbm>> -> memref<1x10x8x128xi32, #tpu.memory_space<hbm>>
      %dma_wait3A_84 = tpu.memref_squeeze %dma_wait3A_83 : memref<1x10x8x128xi32, #tpu.memory_space<hbm>> -> memref<10x8x128xi32, #tpu.memory_space<hbm>>
      tpu.wait_dma2 semaphore(%run_scoped3A : memref<!tpu.dma_semaphore, #tpu.memory_space<semaphore_mem>>) src(%dma_wait3A_84 : memref<10x8x128xi32, #tpu.memory_space<hbm>>) dst(%arg7 : memref<10x8x128xi32, #tpu.memory_space<vmem>>)
      tpu.yield
    }) : () -> ()
    "tpu.region"() ({
      %run_scoped3A = tpu.sem_alloc : memref<!tpu.dma_semaphore, #tpu.memory_space<semaphore_mem>>
      %dma_start3A = arith.constant 0 : i32
      %dma_start3A_67 = arith.constant 0 : i32
      %dma_start3A_68 = arith.constant 0 : i32
      %dma_start3A_69 = tpu.memref_slice %arg3[%add3A, %dma_start3A, %dma_start3A_67, %dma_start3A_68] : memref<32x10x8x128xi32, #tpu.memory_space<hbm>> -> memref<1x10x8x128xi32, #tpu.memory_space<hbm>>
      %dma_start3A_70 = tpu.memref_squeeze %dma_start3A_69 : memref<1x10x8x128xi32, #tpu.memory_space<hbm>> -> memref<10x8x128xi32, #tpu.memory_space<hbm>>
      %dma_start3A_71 = arith.constant 0 : i32
      %dma_start3A_72 = arith.constant 0 : i32
      %dma_start3A_73 = arith.constant 0 : i32
      %dma_start3A_74 = tpu.memref_slice %arg3[%add3A, %dma_start3A_71, %dma_start3A_72, %dma_start3A_73] : memref<32x10x8x128xi32, #tpu.memory_space<hbm>> -> memref<1x10x8x128xi32, #tpu.memory_space<hbm>>
      %dma_start3A_75 = tpu.memref_squeeze %dma_start3A_74 : memref<1x10x8x128xi32, #tpu.memory_space<hbm>> -> memref<10x8x128xi32, #tpu.memory_space<hbm>>
      tpu.enqueue_dma source(%dma_start3A_75 : memref<10x8x128xi32, #tpu.memory_space<hbm>>) target(%arg8 : memref<10x8x128xi32, #tpu.memory_space<vmem>>) target_semaphore(%run_scoped3A : memref<!tpu.dma_semaphore, #tpu.memory_space<semaphore_mem>>)
      %dma_wait3A = arith.constant 0 : i32
      %dma_wait3A_76 = arith.constant 0 : i32
      %dma_wait3A_77 = arith.constant 0 : i32
      %dma_wait3A_78 = tpu.memref_slice %arg3[%add3A, %dma_wait3A, %dma_wait3A_76, %dma_wait3A_77] : memref<32x10x8x128xi32, #tpu.memory_space<hbm>> -> memref<1x10x8x128xi32, #tpu.memory_space<hbm>>
      %dma_wait3A_79 = tpu.memref_squeeze %dma_wait3A_78 : memref<1x10x8x128xi32, #tpu.memory_space<hbm>> -> memref<10x8x128xi32, #tpu.memory_space<hbm>>
      %dma_wait3A_80 = arith.constant 0 : i32
      %dma_wait3A_81 = arith.constant 0 : i32
      %dma_wait3A_82 = arith.constant 0 : i32
      %dma_wait3A_83 = tpu.memref_slice %arg3[%add3A, %dma_wait3A_80, %dma_wait3A_81, %dma_wait3A_82] : memref<32x10x8x128xi32, #tpu.memory_space<hbm>> -> memref<1x10x8x128xi32, #tpu.memory_space<hbm>>
      %dma_wait3A_84 = tpu.memref_squeeze %dma_wait3A_83 : memref<1x10x8x128xi32, #tpu.memory_space<hbm>> -> memref<10x8x128xi32, #tpu.memory_space<hbm>>
      tpu.wait_dma2 semaphore(%run_scoped3A : memref<!tpu.dma_semaphore, #tpu.memory_space<semaphore_mem>>) src(%dma_wait3A_84 : memref<10x8x128xi32, #tpu.memory_space<hbm>>) dst(%arg8 : memref<10x8x128xi32, #tpu.memory_space<vmem>>)
      tpu.yield
    }) : () -> ()
    %barrier3A = arith.constant 0 : index
    tpu.barrier barrier_id(%barrier3A)
    %scan3A = arith.constant 0 : i32
    %scan3A_21 = arith.constant 0 : i32
    %scan3A_22 = arith.constant 80 : i32
    %scan3A_23 = arith.addi %scan3A_21, %scan3A_22 : i32
    %scan3A_24 = arith.constant 1 : i32
    scf.for %scan3A_67 = %scan3A_21 to %scan3A_23 step %scan3A_24  : i32 {
      %jit3A = arith.constant 8 : i32
      %div3A = arith.divsi %scan3A_67, %jit3A : i32
      %sign3A = arith.constant 0 : i32
      %sign3A_68 = arith.cmpi sgt, %scan3A_67, %sign3A : i32
      %sign3A_69 = arith.extui %sign3A_68 : i1 to i32
      %sign3A_70 = arith.constant 0 : i32
      %sign3A_71 = arith.cmpi slt, %scan3A_67, %sign3A_70 : i32
      %sign3A_72 = arith.extui %sign3A_71 : i1 to i32
      %sign3A_73 = arith.subi %sign3A_69, %sign3A_72 : i32
      %sign3A_74 = arith.constant 0 : i32
      %sign3A_75 = arith.cmpi sgt, %jit3A, %sign3A_74 : i32
      %sign3A_76 = arith.extui %sign3A_75 : i1 to i32
      %sign3A_77 = arith.constant 0 : i32
      %sign3A_78 = arith.cmpi slt, %jit3A, %sign3A_77 : i32
      %sign3A_79 = arith.extui %sign3A_78 : i1 to i32
      %sign3A_80 = arith.subi %sign3A_76, %sign3A_79 : i32
      %ne3A = arith.cmpi ne, %sign3A_73, %sign3A_80 : i32
      %rem3A = arith.remsi %scan3A_67, %jit3A : i32
      %ne3A_81 = arith.constant 0 : i32
      %ne3A_82 = arith.cmpi ne, %rem3A, %ne3A_81 : i32
      %and3A = arith.andi %ne3A, %ne3A_82 : i1
      %sub3A = arith.constant 1 : i32
      %sub3A_83 = arith.subi %div3A, %sub3A : i32
      %select_n3A = arith.select %and3A, %sub3A_83, %div3A : i32
      %jit3A_84 = arith.constant 8 : i32
      %eq3A = arith.constant 0 : i32
      %eq3A_85 = arith.cmpi eq, %jit3A_84, %eq3A : i32
      %jit3A_86 = arith.constant 1 : i32
      %select_n3A_87 = arith.select %eq3A_85, %jit3A_86, %jit3A_84 : i32
      %rem3A_88 = arith.remsi %scan3A_67, %select_n3A_87 : i32
      %ne3A_89 = arith.constant 0 : i32
      %ne3A_90 = arith.cmpi ne, %rem3A_88, %ne3A_89 : i32
      %lt3A = arith.constant 0 : i32
      %lt3A_91 = arith.cmpi slt, %rem3A_88, %lt3A : i32
      %lt3A_92 = arith.constant 0 : i32
      %lt3A_93 = arith.cmpi slt, %select_n3A_87, %lt3A_92 : i32
      %ne3A_94 = arith.xori %lt3A_91, %lt3A_93 : i1
      %and3A_95 = arith.andi %ne3A_94, %ne3A_90 : i1
      %add3A_96 = arith.addi %rem3A_88, %select_n3A_87 : i32
      %select_n3A_97 = arith.select %and3A_95, %add3A_96, %rem3A_88 : i32
      %dma_start3A = arith.constant 0 : i32
      %dma_start3A_98 = tpu.memref_slice %arg7[%select_n3A, %select_n3A_97, %dma_start3A] : memref<10x8x128xi32, #tpu.memory_space<vmem>> -> memref<1x1x128xi32, #tpu.memory_space<vmem>>
      %dma_start3A_99 = tpu.memref_squeeze %dma_start3A_98 : memref<1x1x128xi32, #tpu.memory_space<vmem>> -> memref<128xi32, #tpu.memory_space<vmem>>
      %dma_start3A_100 = arith.constant 0 : i32
      %dma_start3A_101 = arith.constant 0 : i32
      %dma_start3A_102 = tpu.memref_slice %arg4[%dma_start3A_100, %dma_start3A_101] : memref<10240x128xf32, #tpu.memory_space<hbm>> -> memref<10240x128xf32, #tpu.memory_space<hbm>>
      tpu.enqueue_indirect_dma source(%dma_start3A_102 : memref<10240x128xf32, #tpu.memory_space<hbm>>) target(%arg9 : memref<128x128xf32, #tpu.memory_space<vmem>>) offsets(%dma_start3A_99 : memref<128xi32, #tpu.memory_space<vmem>>) semaphore(%arg10 : memref<!tpu.dma_semaphore, #tpu.memory_space<semaphore_mem>>)
      %dma_wait3A = arith.constant 0 : i32
      %dma_wait3A_103 = tpu.memref_slice %arg7[%select_n3A, %select_n3A_97, %dma_wait3A] : memref<10x8x128xi32, #tpu.memory_space<vmem>> -> memref<1x1x128xi32, #tpu.memory_space<vmem>>
      %dma_wait3A_104 = tpu.memref_squeeze %dma_wait3A_103 : memref<1x1x128xi32, #tpu.memory_space<vmem>> -> memref<128xi32, #tpu.memory_space<vmem>>
      %dma_wait3A_105 = arith.constant 0 : i32
      %dma_wait3A_106 = arith.constant 0 : i32
      %dma_wait3A_107 = tpu.memref_slice %arg4[%dma_wait3A_105, %dma_wait3A_106] : memref<10240x128xf32, #tpu.memory_space<hbm>> -> memref<10240x128xf32, #tpu.memory_space<hbm>>
      tpu.wait_indirect_dma semaphore(%arg10 : memref<!tpu.dma_semaphore, #tpu.memory_space<semaphore_mem>>) src(%dma_wait3A_107 : memref<10240x128xf32, #tpu.memory_space<hbm>>) dst(%arg9 : memref<128x128xf32, #tpu.memory_space<vmem>>)
      "tpu.region"() ({
        %run_scoped3A = tpu.sem_alloc : memref<!tpu.dma_semaphore, #tpu.memory_space<semaphore_mem>>
        %dma_start3A_108 = arith.constant 0 : i32
        %dma_start3A_109 = tpu.memref_slice %arg8[%select_n3A, %select_n3A_97, %dma_start3A_108] : memref<10x8x128xi32, #tpu.memory_space<vmem>> -> memref<1x1x128xi32, #tpu.memory_space<vmem>>
        %dma_start3A_110 = tpu.memref_squeeze %dma_start3A_109 : memref<1x1x128xi32, #tpu.memory_space<vmem>> -> memref<128xi32, #tpu.memory_space<vmem>>
        %dma_start3A_111 = arith.constant 0 : i32
        %dma_start3A_112 = arith.constant 0 : i32
        %dma_start3A_113 = tpu.memref_slice %arg11[%dma_start3A_111, %dma_start3A_112] : memref<10240x128xf32, #tpu.memory_space<vmem_shared>> -> memref<10240x128xf32, #tpu.memory_space<vmem_shared>>
        tpu.enqueue_indirect_dma source(%arg9 : memref<128x128xf32, #tpu.memory_space<vmem>>) target(%dma_start3A_113 : memref<10240x128xf32, #tpu.memory_space<vmem_shared>>) offsets(%dma_start3A_110 : memref<128xi32, #tpu.memory_space<vmem>>) semaphore(%run_scoped3A : memref<!tpu.dma_semaphore, #tpu.memory_space<semaphore_mem>>) {add = true}
        %dma_wait3A_114 = arith.constant 0 : i32
        %dma_wait3A_115 = tpu.memref_slice %arg8[%select_n3A, %select_n3A_97, %dma_wait3A_114] : memref<10x8x128xi32, #tpu.memory_space<vmem>> -> memref<1x1x128xi32, #tpu.memory_space<vmem>>
        %dma_wait3A_116 = tpu.memref_squeeze %dma_wait3A_115 : memref<1x1x128xi32, #tpu.memory_space<vmem>> -> memref<128xi32, #tpu.memory_space<vmem>>
        %dma_wait3A_117 = arith.constant 0 : i32
        %dma_wait3A_118 = arith.constant 0 : i32
        %dma_wait3A_119 = tpu.memref_slice %arg11[%dma_wait3A_117, %dma_wait3A_118] : memref<10240x128xf32, #tpu.memory_space<vmem_shared>> -> memref<10240x128xf32, #tpu.memory_space<vmem_shared>>
        tpu.wait_indirect_dma semaphore(%run_scoped3A : memref<!tpu.dma_semaphore, #tpu.memory_space<semaphore_mem>>) src(%arg9 : memref<128x128xf32, #tpu.memory_space<vmem>>) dst(%dma_wait3A_119 : memref<10240x128xf32, #tpu.memory_space<vmem_shared>>)
        tpu.yield
      }) : () -> ()
    }
    %scan3A_25 = arith.constant 80 : i32
    %barrier3A_26 = arith.constant 0 : index
    tpu.barrier barrier_id(%barrier3A_26)
    %mul3A_27 = arith.constant 640 : i32
    %mul3A_28 = arith.muli %arg1, %mul3A_27 : i32
    %add3A_29 = arith.constant 0 : i32
    %add3A_30 = arith.addi %mul3A_28, %add3A_29 : i32
    "tpu.region"() ({
      %run_scoped3A = tpu.sem_alloc : memref<!tpu.dma_semaphore, #tpu.memory_space<semaphore_mem>>
      %dma_start3A = arith.constant 0 : i32
      %dma_start3A_67 = tpu.memref_slice %arg11[%add3A_30, %dma_start3A] : memref<10240x128xf32, #tpu.memory_space<vmem_shared>> -> memref<128x128xf32, #tpu.memory_space<vmem_shared>>
      %dma_start3A_68 = arith.constant 0 : i32
      %dma_start3A_69 = tpu.memref_slice %arg11[%add3A_30, %dma_start3A_68] : memref<10240x128xf32, #tpu.memory_space<vmem_shared>> -> memref<128x128xf32, #tpu.memory_space<vmem_shared>>
      tpu.enqueue_dma source(%dma_start3A_69 : memref<128x128xf32, #tpu.memory_space<vmem_shared>>) target(%arg9 : memref<128x128xf32, #tpu.memory_space<vmem>>) target_semaphore(%run_scoped3A : memref<!tpu.dma_semaphore, #tpu.memory_space<semaphore_mem>>)
      %dma_wait3A = arith.constant 0 : i32
      %dma_wait3A_70 = tpu.memref_slice %arg11[%add3A_30, %dma_wait3A] : memref<10240x128xf32, #tpu.memory_space<vmem_shared>> -> memref<128x128xf32, #tpu.memory_space<vmem_shared>>
      %dma_wait3A_71 = arith.constant 0 : i32
      %dma_wait3A_72 = tpu.memref_slice %arg11[%add3A_30, %dma_wait3A_71] : memref<10240x128xf32, #tpu.memory_space<vmem_shared>> -> memref<128x128xf32, #tpu.memory_space<vmem_shared>>
      tpu.wait_dma2 semaphore(%run_scoped3A : memref<!tpu.dma_semaphore, #tpu.memory_space<semaphore_mem>>) src(%dma_wait3A_72 : memref<128x128xf32, #tpu.memory_space<vmem_shared>>) dst(%arg9 : memref<128x128xf32, #tpu.memory_space<vmem>>)
      tpu.yield
    }) : () -> ()
    %mul3A_31 = arith.constant 640 : i32
    %mul3A_32 = arith.muli %arg1, %mul3A_31 : i32
    %add3A_33 = arith.constant 0 : i32
    %add3A_34 = arith.addi %mul3A_32, %add3A_33 : i32
    "tpu.region"() ({
      %run_scoped3A = tpu.sem_alloc : memref<!tpu.dma_semaphore, #tpu.memory_space<semaphore_mem>>
      %dma_start3A = arith.constant 0 : i32
      %dma_start3A_67 = tpu.memref_slice %arg6[%arg0, %add3A_34, %dma_start3A] : memref<2x10240x128xf32, #tpu.memory_space<hbm>> -> memref<1x128x128xf32, #tpu.memory_space<hbm>>
      %dma_start3A_68 = tpu.memref_squeeze %dma_start3A_67 : memref<1x128x128xf32, #tpu.memory_space<hbm>> -> memref<128x128xf32, #tpu.memory_space<hbm>>
      %dma_start3A_69 = arith.constant 0 : i32
      %dma_start3A_70 = tpu.memref_slice %arg6[%arg0, %add3A_34, %dma_start3A_69] : memref<2x10240x128xf32, #tpu.memory_space<hbm>> -> memref<1x128x128xf32, #tpu.memory_space<hbm>>
      %dma_start3A_71 = tpu.memref_squeeze %dma_start3A_70 : memref<1x128x128xf32, #tpu.memory_space<hbm>> -> memref<128x128xf32, #tpu.memory_space<hbm>>
      tpu.enqueue_dma source(%arg9 : memref<128x128xf32, #tpu.memory_space<vmem>>) target(%dma_start3A_71 : memref<128x128xf32, #tpu.memory_space<hbm>>) target_semaphore(%run_scoped3A : memref<!tpu.dma_semaphore, #tpu.memory_space<semaphore_mem>>)
      %dma_wait3A = arith.constant 0 : i32
      %dma_wait3A_72 = tpu.memref_slice %arg6[%arg0, %add3A_34, %dma_wait3A] : memref<2x10240x128xf32, #tpu.memory_space<hbm>> -> memref<1x128x128xf32, #tpu.memory_space<hbm>>
      %dma_wait3A_73 = tpu.memref_squeeze %dma_wait3A_72 : memref<1x128x128xf32, #tpu.memory_space<hbm>> -> memref<128x128xf32, #tpu.memory_space<hbm>>
      %dma_wait3A_74 = arith.constant 0 : i32
      %dma_wait3A_75 = tpu.memref_slice %arg6[%arg0, %add3A_34, %dma_wait3A_74] : memref<2x10240x128xf32, #tpu.memory_space<hbm>> -> memref<1x128x128xf32, #tpu.memory_space<hbm>>
      %dma_wait3A_76 = tpu.memref_squeeze %dma_wait3A_75 : memref<1x128x128xf32, #tpu.memory_space<hbm>> -> memref<128x128xf32, #tpu.memory_space<hbm>>
      tpu.wait_dma2 semaphore(%run_scoped3A : memref<!tpu.dma_semaphore, #tpu.memory_space<semaphore_mem>>) src(%arg9 : memref<128x128xf32, #tpu.memory_space<vmem>>) dst(%dma_wait3A_76 : memref<128x128xf32, #tpu.memory_space<hbm>>)
      tpu.yield
    }) : () -> ()
    %mul3A_35 = arith.constant 640 : i32
    %mul3A_36 = arith.muli %arg1, %mul3A_35 : i32
    %add3A_37 = arith.constant 128 : i32
    %add3A_38 = arith.addi %mul3A_36, %add3A_37 : i32
    "tpu.region"() ({
      %run_scoped3A = tpu.sem_alloc : memref<!tpu.dma_semaphore, #tpu.memory_space<semaphore_mem>>
      %dma_start3A = arith.constant 0 : i32
      %dma_start3A_67 = tpu.memref_slice %arg11[%add3A_38, %dma_start3A] : memref<10240x128xf32, #tpu.memory_space<vmem_shared>> -> memref<128x128xf32, #tpu.memory_space<vmem_shared>>
      %dma_start3A_68 = arith.constant 0 : i32
      %dma_start3A_69 = tpu.memref_slice %arg11[%add3A_38, %dma_start3A_68] : memref<10240x128xf32, #tpu.memory_space<vmem_shared>> -> memref<128x128xf32, #tpu.memory_space<vmem_shared>>
      tpu.enqueue_dma source(%dma_start3A_69 : memref<128x128xf32, #tpu.memory_space<vmem_shared>>) target(%arg9 : memref<128x128xf32, #tpu.memory_space<vmem>>) target_semaphore(%run_scoped3A : memref<!tpu.dma_semaphore, #tpu.memory_space<semaphore_mem>>)
      %dma_wait3A = arith.constant 0 : i32
      %dma_wait3A_70 = tpu.memref_slice %arg11[%add3A_38, %dma_wait3A] : memref<10240x128xf32, #tpu.memory_space<vmem_shared>> -> memref<128x128xf32, #tpu.memory_space<vmem_shared>>
      %dma_wait3A_71 = arith.constant 0 : i32
      %dma_wait3A_72 = tpu.memref_slice %arg11[%add3A_38, %dma_wait3A_71] : memref<10240x128xf32, #tpu.memory_space<vmem_shared>> -> memref<128x128xf32, #tpu.memory_space<vmem_shared>>
      tpu.wait_dma2 semaphore(%run_scoped3A : memref<!tpu.dma_semaphore, #tpu.memory_space<semaphore_mem>>) src(%dma_wait3A_72 : memref<128x128xf32, #tpu.memory_space<vmem_shared>>) dst(%arg9 : memref<128x128xf32, #tpu.memory_space<vmem>>)
      tpu.yield
    }) : () -> ()
    %mul3A_39 = arith.constant 640 : i32
    %mul3A_40 = arith.muli %arg1, %mul3A_39 : i32
    %add3A_41 = arith.constant 128 : i32
    %add3A_42 = arith.addi %mul3A_40, %add3A_41 : i32
    "tpu.region"() ({
      %run_scoped3A = tpu.sem_alloc : memref<!tpu.dma_semaphore, #tpu.memory_space<semaphore_mem>>
      %dma_start3A = arith.constant 0 : i32
      %dma_start3A_67 = tpu.memref_slice %arg6[%arg0, %add3A_42, %dma_start3A] : memref<2x10240x128xf32, #tpu.memory_space<hbm>> -> memref<1x128x128xf32, #tpu.memory_space<hbm>>
      %dma_start3A_68 = tpu.memref_squeeze %dma_start3A_67 : memref<1x128x128xf32, #tpu.memory_space<hbm>> -> memref<128x128xf32, #tpu.memory_space<hbm>>
      %dma_start3A_69 = arith.constant 0 : i32
      %dma_start3A_70 = tpu.memref_slice %arg6[%arg0, %add3A_42, %dma_start3A_69] : memref<2x10240x128xf32, #tpu.memory_space<hbm>> -> memref<1x128x128xf32, #tpu.memory_space<hbm>>
      %dma_start3A_71 = tpu.memref_squeeze %dma_start3A_70 : memref<1x128x128xf32, #tpu.memory_space<hbm>> -> memref<128x128xf32, #tpu.memory_space<hbm>>
      tpu.enqueue_dma source(%arg9 : memref<128x128xf32, #tpu.memory_space<vmem>>) target(%dma_start3A_71 : memref<128x128xf32, #tpu.memory_space<hbm>>) target_semaphore(%run_scoped3A : memref<!tpu.dma_semaphore, #tpu.memory_space<semaphore_mem>>)
      %dma_wait3A = arith.constant 0 : i32
      %dma_wait3A_72 = tpu.memref_slice %arg6[%arg0, %add3A_42, %dma_wait3A] : memref<2x10240x128xf32, #tpu.memory_space<hbm>> -> memref<1x128x128xf32, #tpu.memory_space<hbm>>
      %dma_wait3A_73 = tpu.memref_squeeze %dma_wait3A_72 : memref<1x128x128xf32, #tpu.memory_space<hbm>> -> memref<128x128xf32, #tpu.memory_space<hbm>>
      %dma_wait3A_74 = arith.constant 0 : i32
      %dma_wait3A_75 = tpu.memref_slice %arg6[%arg0, %add3A_42, %dma_wait3A_74] : memref<2x10240x128xf32, #tpu.memory_space<hbm>> -> memref<1x128x128xf32, #tpu.memory_space<hbm>>
      %dma_wait3A_76 = tpu.memref_squeeze %dma_wait3A_75 : memref<1x128x128xf32, #tpu.memory_space<hbm>> -> memref<128x128xf32, #tpu.memory_space<hbm>>
      tpu.wait_dma2 semaphore(%run_scoped3A : memref<!tpu.dma_semaphore, #tpu.memory_space<semaphore_mem>>) src(%arg9 : memref<128x128xf32, #tpu.memory_space<vmem>>) dst(%dma_wait3A_76 : memref<128x128xf32, #tpu.memory_space<hbm>>)
      tpu.yield
    }) : () -> ()
    %mul3A_43 = arith.constant 640 : i32
    %mul3A_44 = arith.muli %arg1, %mul3A_43 : i32
    %add3A_45 = arith.constant 256 : i32
    %add3A_46 = arith.addi %mul3A_44, %add3A_45 : i32
    "tpu.region"() ({
      %run_scoped3A = tpu.sem_alloc : memref<!tpu.dma_semaphore, #tpu.memory_space<semaphore_mem>>
      %dma_start3A = arith.constant 0 : i32
      %dma_start3A_67 = tpu.memref_slice %arg11[%add3A_46, %dma_start3A] : memref<10240x128xf32, #tpu.memory_space<vmem_shared>> -> memref<128x128xf32, #tpu.memory_space<vmem_shared>>
      %dma_start3A_68 = arith.constant 0 : i32
      %dma_start3A_69 = tpu.memref_slice %arg11[%add3A_46, %dma_start3A_68] : memref<10240x128xf32, #tpu.memory_space<vmem_shared>> -> memref<128x128xf32, #tpu.memory_space<vmem_shared>>
      tpu.enqueue_dma source(%dma_start3A_69 : memref<128x128xf32, #tpu.memory_space<vmem_shared>>) target(%arg9 : memref<128x128xf32, #tpu.memory_space<vmem>>) target_semaphore(%run_scoped3A : memref<!tpu.dma_semaphore, #tpu.memory_space<semaphore_mem>>)
      %dma_wait3A = arith.constant 0 : i32
      %dma_wait3A_70 = tpu.memref_slice %arg11[%add3A_46, %dma_wait3A] : memref<10240x128xf32, #tpu.memory_space<vmem_shared>> -> memref<128x128xf32, #tpu.memory_space<vmem_shared>>
      %dma_wait3A_71 = arith.constant 0 : i32
      %dma_wait3A_72 = tpu.memref_slice %arg11[%add3A_46, %dma_wait3A_71] : memref<10240x128xf32, #tpu.memory_space<vmem_shared>> -> memref<128x128xf32, #tpu.memory_space<vmem_shared>>
      tpu.wait_dma2 semaphore(%run_scoped3A : memref<!tpu.dma_semaphore, #tpu.memory_space<semaphore_mem>>) src(%dma_wait3A_72 : memref<128x128xf32, #tpu.memory_space<vmem_shared>>) dst(%arg9 : memref<128x128xf32, #tpu.memory_space<vmem>>)
      tpu.yield
    }) : () -> ()
    %mul3A_47 = arith.constant 640 : i32
    %mul3A_48 = arith.muli %arg1, %mul3A_47 : i32
    %add3A_49 = arith.constant 256 : i32
    %add3A_50 = arith.addi %mul3A_48, %add3A_49 : i32
    "tpu.region"() ({
      %run_scoped3A = tpu.sem_alloc : memref<!tpu.dma_semaphore, #tpu.memory_space<semaphore_mem>>
      %dma_start3A = arith.constant 0 : i32
      %dma_start3A_67 = tpu.memref_slice %arg6[%arg0, %add3A_50, %dma_start3A] : memref<2x10240x128xf32, #tpu.memory_space<hbm>> -> memref<1x128x128xf32, #tpu.memory_space<hbm>>
      %dma_start3A_68 = tpu.memref_squeeze %dma_start3A_67 : memref<1x128x128xf32, #tpu.memory_space<hbm>> -> memref<128x128xf32, #tpu.memory_space<hbm>>
      %dma_start3A_69 = arith.constant 0 : i32
      %dma_start3A_70 = tpu.memref_slice %arg6[%arg0, %add3A_50, %dma_start3A_69] : memref<2x10240x128xf32, #tpu.memory_space<hbm>> -> memref<1x128x128xf32, #tpu.memory_space<hbm>>
      %dma_start3A_71 = tpu.memref_squeeze %dma_start3A_70 : memref<1x128x128xf32, #tpu.memory_space<hbm>> -> memref<128x128xf32, #tpu.memory_space<hbm>>
      tpu.enqueue_dma source(%arg9 : memref<128x128xf32, #tpu.memory_space<vmem>>) target(%dma_start3A_71 : memref<128x128xf32, #tpu.memory_space<hbm>>) target_semaphore(%run_scoped3A : memref<!tpu.dma_semaphore, #tpu.memory_space<semaphore_mem>>)
      %dma_wait3A = arith.constant 0 : i32
      %dma_wait3A_72 = tpu.memref_slice %arg6[%arg0, %add3A_50, %dma_wait3A] : memref<2x10240x128xf32, #tpu.memory_space<hbm>> -> memref<1x128x128xf32, #tpu.memory_space<hbm>>
      %dma_wait3A_73 = tpu.memref_squeeze %dma_wait3A_72 : memref<1x128x128xf32, #tpu.memory_space<hbm>> -> memref<128x128xf32, #tpu.memory_space<hbm>>
      %dma_wait3A_74 = arith.constant 0 : i32
      %dma_wait3A_75 = tpu.memref_slice %arg6[%arg0, %add3A_50, %dma_wait3A_74] : memref<2x10240x128xf32, #tpu.memory_space<hbm>> -> memref<1x128x128xf32, #tpu.memory_space<hbm>>
      %dma_wait3A_76 = tpu.memref_squeeze %dma_wait3A_75 : memref<1x128x128xf32, #tpu.memory_space<hbm>> -> memref<128x128xf32, #tpu.memory_space<hbm>>
      tpu.wait_dma2 semaphore(%run_scoped3A : memref<!tpu.dma_semaphore, #tpu.memory_space<semaphore_mem>>) src(%arg9 : memref<128x128xf32, #tpu.memory_space<vmem>>) dst(%dma_wait3A_76 : memref<128x128xf32, #tpu.memory_space<hbm>>)
      tpu.yield
    }) : () -> ()
    %mul3A_51 = arith.constant 640 : i32
    %mul3A_52 = arith.muli %arg1, %mul3A_51 : i32
    %add3A_53 = arith.constant 384 : i32
    %add3A_54 = arith.addi %mul3A_52, %add3A_53 : i32
    "tpu.region"() ({
      %run_scoped3A = tpu.sem_alloc : memref<!tpu.dma_semaphore, #tpu.memory_space<semaphore_mem>>
      %dma_start3A = arith.constant 0 : i32
      %dma_start3A_67 = tpu.memref_slice %arg11[%add3A_54, %dma_start3A] : memref<10240x128xf32, #tpu.memory_space<vmem_shared>> -> memref<128x128xf32, #tpu.memory_space<vmem_shared>>
      %dma_start3A_68 = arith.constant 0 : i32
      %dma_start3A_69 = tpu.memref_slice %arg11[%add3A_54, %dma_start3A_68] : memref<10240x128xf32, #tpu.memory_space<vmem_shared>> -> memref<128x128xf32, #tpu.memory_space<vmem_shared>>
      tpu.enqueue_dma source(%dma_start3A_69 : memref<128x128xf32, #tpu.memory_space<vmem_shared>>) target(%arg9 : memref<128x128xf32, #tpu.memory_space<vmem>>) target_semaphore(%run_scoped3A : memref<!tpu.dma_semaphore, #tpu.memory_space<semaphore_mem>>)
      %dma_wait3A = arith.constant 0 : i32
      %dma_wait3A_70 = tpu.memref_slice %arg11[%add3A_54, %dma_wait3A] : memref<10240x128xf32, #tpu.memory_space<vmem_shared>> -> memref<128x128xf32, #tpu.memory_space<vmem_shared>>
      %dma_wait3A_71 = arith.constant 0 : i32
      %dma_wait3A_72 = tpu.memref_slice %arg11[%add3A_54, %dma_wait3A_71] : memref<10240x128xf32, #tpu.memory_space<vmem_shared>> -> memref<128x128xf32, #tpu.memory_space<vmem_shared>>
      tpu.wait_dma2 semaphore(%run_scoped3A : memref<!tpu.dma_semaphore, #tpu.memory_space<semaphore_mem>>) src(%dma_wait3A_72 : memref<128x128xf32, #tpu.memory_space<vmem_shared>>) dst(%arg9 : memref<128x128xf32, #tpu.memory_space<vmem>>)
      tpu.yield
    }) : () -> ()
    %mul3A_55 = arith.constant 640 : i32
    %mul3A_56 = arith.muli %arg1, %mul3A_55 : i32
    %add3A_57 = arith.constant 384 : i32
    %add3A_58 = arith.addi %mul3A_56, %add3A_57 : i32
    "tpu.region"() ({
      %run_scoped3A = tpu.sem_alloc : memref<!tpu.dma_semaphore, #tpu.memory_space<semaphore_mem>>
      %dma_start3A = arith.constant 0 : i32
      %dma_start3A_67 = tpu.memref_slice %arg6[%arg0, %add3A_58, %dma_start3A] : memref<2x10240x128xf32, #tpu.memory_space<hbm>> -> memref<1x128x128xf32, #tpu.memory_space<hbm>>
      %dma_start3A_68 = tpu.memref_squeeze %dma_start3A_67 : memref<1x128x128xf32, #tpu.memory_space<hbm>> -> memref<128x128xf32, #tpu.memory_space<hbm>>
      %dma_start3A_69 = arith.constant 0 : i32
      %dma_start3A_70 = tpu.memref_slice %arg6[%arg0, %add3A_58, %dma_start3A_69] : memref<2x10240x128xf32, #tpu.memory_space<hbm>> -> memref<1x128x128xf32, #tpu.memory_space<hbm>>
      %dma_start3A_71 = tpu.memref_squeeze %dma_start3A_70 : memref<1x128x128xf32, #tpu.memory_space<hbm>> -> memref<128x128xf32, #tpu.memory_space<hbm>>
      tpu.enqueue_dma source(%arg9 : memref<128x128xf32, #tpu.memory_space<vmem>>) target(%dma_start3A_71 : memref<128x128xf32, #tpu.memory_space<hbm>>) target_semaphore(%run_scoped3A : memref<!tpu.dma_semaphore, #tpu.memory_space<semaphore_mem>>)
      %dma_wait3A = arith.constant 0 : i32
      %dma_wait3A_72 = tpu.memref_slice %arg6[%arg0, %add3A_58, %dma_wait3A] : memref<2x10240x128xf32, #tpu.memory_space<hbm>> -> memref<1x128x128xf32, #tpu.memory_space<hbm>>
      %dma_wait3A_73 = tpu.memref_squeeze %dma_wait3A_72 : memref<1x128x128xf32, #tpu.memory_space<hbm>> -> memref<128x128xf32, #tpu.memory_space<hbm>>
      %dma_wait3A_74 = arith.constant 0 : i32
      %dma_wait3A_75 = tpu.memref_slice %arg6[%arg0, %add3A_58, %dma_wait3A_74] : memref<2x10240x128xf32, #tpu.memory_space<hbm>> -> memref<1x128x128xf32, #tpu.memory_space<hbm>>
      %dma_wait3A_76 = tpu.memref_squeeze %dma_wait3A_75 : memref<1x128x128xf32, #tpu.memory_space<hbm>> -> memref<128x128xf32, #tpu.memory_space<hbm>>
      tpu.wait_dma2 semaphore(%run_scoped3A : memref<!tpu.dma_semaphore, #tpu.memory_space<semaphore_mem>>) src(%arg9 : memref<128x128xf32, #tpu.memory_space<vmem>>) dst(%dma_wait3A_76 : memref<128x128xf32, #tpu.memory_space<hbm>>)
      tpu.yield
    }) : () -> ()
    %mul3A_59 = arith.constant 640 : i32
    %mul3A_60 = arith.muli %arg1, %mul3A_59 : i32
    %add3A_61 = arith.constant 512 : i32
    %add3A_62 = arith.addi %mul3A_60, %add3A_61 : i32
    "tpu.region"() ({
      %run_scoped3A = tpu.sem_alloc : memref<!tpu.dma_semaphore, #tpu.memory_space<semaphore_mem>>
      %dma_start3A = arith.constant 0 : i32
      %dma_start3A_67 = tpu.memref_slice %arg11[%add3A_62, %dma_start3A] : memref<10240x128xf32, #tpu.memory_space<vmem_shared>> -> memref<128x128xf32, #tpu.memory_space<vmem_shared>>
      %dma_start3A_68 = arith.constant 0 : i32
      %dma_start3A_69 = tpu.memref_slice %arg11[%add3A_62, %dma_start3A_68] : memref<10240x128xf32, #tpu.memory_space<vmem_shared>> -> memref<128x128xf32, #tpu.memory_space<vmem_shared>>
      tpu.enqueue_dma source(%dma_start3A_69 : memref<128x128xf32, #tpu.memory_space<vmem_shared>>) target(%arg9 : memref<128x128xf32, #tpu.memory_space<vmem>>) target_semaphore(%run_scoped3A : memref<!tpu.dma_semaphore, #tpu.memory_space<semaphore_mem>>)
      %dma_wait3A = arith.constant 0 : i32
      %dma_wait3A_70 = tpu.memref_slice %arg11[%add3A_62, %dma_wait3A] : memref<10240x128xf32, #tpu.memory_space<vmem_shared>> -> memref<128x128xf32, #tpu.memory_space<vmem_shared>>
      %dma_wait3A_71 = arith.constant 0 : i32
      %dma_wait3A_72 = tpu.memref_slice %arg11[%add3A_62, %dma_wait3A_71] : memref<10240x128xf32, #tpu.memory_space<vmem_shared>> -> memref<128x128xf32, #tpu.memory_space<vmem_shared>>
      tpu.wait_dma2 semaphore(%run_scoped3A : memref<!tpu.dma_semaphore, #tpu.memory_space<semaphore_mem>>) src(%dma_wait3A_72 : memref<128x128xf32, #tpu.memory_space<vmem_shared>>) dst(%arg9 : memref<128x128xf32, #tpu.memory_space<vmem>>)
      tpu.yield
    }) : () -> ()
    %mul3A_63 = arith.constant 640 : i32
    %mul3A_64 = arith.muli %arg1, %mul3A_63 : i32
    %add3A_65 = arith.constant 512 : i32
    %add3A_66 = arith.addi %mul3A_64, %add3A_65 : i32
    "tpu.region"() ({
      %run_scoped3A = tpu.sem_alloc : memref<!tpu.dma_semaphore, #tpu.memory_space<semaphore_mem>>
      %dma_start3A = arith.constant 0 : i32
      %dma_start3A_67 = tpu.memref_slice %arg6[%arg0, %add3A_66, %dma_start3A] : memref<2x10240x128xf32, #tpu.memory_space<hbm>> -> memref<1x128x128xf32, #tpu.memory_space<hbm>>
      %dma_start3A_68 = tpu.memref_squeeze %dma_start3A_67 : memref<1x128x128xf32, #tpu.memory_space<hbm>> -> memref<128x128xf32, #tpu.memory_space<hbm>>
      %dma_start3A_69 = arith.constant 0 : i32
      %dma_start3A_70 = tpu.memref_slice %arg6[%arg0, %add3A_66, %dma_start3A_69] : memref<2x10240x128xf32, #tpu.memory_space<hbm>> -> memref<1x128x128xf32, #tpu.memory_space<hbm>>
      %dma_start3A_71 = tpu.memref_squeeze %dma_start3A_70 : memref<1x128x128xf32, #tpu.memory_space<hbm>> -> memref<128x128xf32, #tpu.memory_space<hbm>>
      tpu.enqueue_dma source(%arg9 : memref<128x128xf32, #tpu.memory_space<vmem>>) target(%dma_start3A_71 : memref<128x128xf32, #tpu.memory_space<hbm>>) target_semaphore(%run_scoped3A : memref<!tpu.dma_semaphore, #tpu.memory_space<semaphore_mem>>)
      %dma_wait3A = arith.constant 0 : i32
      %dma_wait3A_72 = tpu.memref_slice %arg6[%arg0, %add3A_66, %dma_wait3A] : memref<2x10240x128xf32, #tpu.memory_space<hbm>> -> memref<1x128x128xf32, #tpu.memory_space<hbm>>
      %dma_wait3A_73 = tpu.memref_squeeze %dma_wait3A_72 : memref<1x128x128xf32, #tpu.memory_space<hbm>> -> memref<128x128xf32, #tpu.memory_space<hbm>>
      %dma_wait3A_74 = arith.constant 0 : i32
      %dma_wait3A_75 = tpu.memref_slice %arg6[%arg0, %add3A_66, %dma_wait3A_74] : memref<2x10240x128xf32, #tpu.memory_space<hbm>> -> memref<1x128x128xf32, #tpu.memory_space<hbm>>
      %dma_wait3A_76 = tpu.memref_squeeze %dma_wait3A_75 : memref<1x128x128xf32, #tpu.memory_space<hbm>> -> memref<128x128xf32, #tpu.memory_space<hbm>>
      tpu.wait_dma2 semaphore(%run_scoped3A : memref<!tpu.dma_semaphore, #tpu.memory_space<semaphore_mem>>) src(%arg9 : memref<128x128xf32, #tpu.memory_space<vmem>>) dst(%dma_wait3A_76 : memref<128x128xf32, #tpu.memory_space<hbm>>)
      tpu.yield
    }) : () -> ()
    return
  }
}

module attributes {stable_mosaic.version = 14 : i64} {
  func.func @_scale_body(%arg0: i32, %arg1: memref<512x128xf32, #tpu.memory_space<vmem>>, %arg2: memref<2x512x1xf32, #tpu.memory_space<vmem>>, %arg3: memref<512x128xf32, #tpu.memory_space<vmem>>) attributes {dimension_semantics = [#tpu.dimension_semantics<arbitrary>], iteration_bounds = array<i64: 20>, scalar_prefetch = 0 : i64, scratch_operands = 0 : i64, tpu.core_type = #tpu.core_type<tc>, window_params = [{transform_indices = @transform_0, window_bounds = array<i64: 512, 128>}, {transform_indices = @transform_1, window_bounds = array<i64: 2, 512, 1>}, {transform_indices = @transform_2, window_bounds = array<i64: 512, 128>}]} {
    %get3A = arith.constant 0 : index
    %get3A_0 = arith.constant 0 : index
    %get3A_1 = arith.constant 0 : index
    %get3A_2 = vector.load %arg2[%get3A, %get3A_0, %get3A_1] : memref<2x512x1xf32, #tpu.memory_space<vmem>>, vector<1x512x1xf32>
    %get3A_3 = vector.shape_cast %get3A_2 : vector<1x512x1xf32> to vector<512x1xf32>
    %get3A_4 = arith.constant 1 : index
    %get3A_5 = arith.constant 0 : index
    %get3A_6 = arith.constant 0 : index
    %get3A_7 = vector.load %arg2[%get3A_4, %get3A_5, %get3A_6] : memref<2x512x1xf32, #tpu.memory_space<vmem>>, vector<1x512x1xf32>
    %get3A_8 = vector.shape_cast %get3A_7 : vector<1x512x1xf32> to vector<512x1xf32>
    %add3A = arith.addf %get3A_3, %get3A_8 : vector<512x1xf32>
    %max3A = arith.constant 1.000000e+00 : f32
    %max3A_9 = vector.broadcast %max3A : f32 to vector<512x1xf32>
    %max3A_10 = arith.maximumf %add3A, %max3A_9 : vector<512x1xf32>
    %rsqrt3A = math.rsqrt %max3A_10 : vector<512x1xf32>
    %get3A_11 = arith.constant 0 : index
    %get3A_12 = arith.constant 0 : index
    %get3A_13 = vector.load %arg1[%get3A_11, %get3A_12] : memref<512x128xf32, #tpu.memory_space<vmem>>, vector<512x128xf32>
    %mul3A = vector.broadcast %rsqrt3A : vector<512x1xf32> to vector<512x128xf32>
    %mul3A_14 = arith.mulf %get3A_13, %mul3A : vector<512x128xf32>
    %swap3A = arith.constant 0 : index
    %swap3A_15 = arith.constant 0 : index
    %swap3A_16 = vector.load %arg3[%swap3A, %swap3A_15] : memref<512x128xf32, #tpu.memory_space<vmem>>, vector<512x128xf32>
    tpu.vector_store %arg3[%swap3A, %swap3A_15], %mul3A_14 {strides = array<i32>} : memref<512x128xf32, #tpu.memory_space<vmem>>, vector<512x128xf32>,
    return
  }
  func.func @transform_0(%arg0: i32) -> (i32, i32) {
    %c0_i32 = arith.constant 0 : i32
    %c0_i32_0 = arith.constant 0 : i32
    return %arg0, %c0_i32 : i32, i32
  }
  func.func @transform_1(%arg0: i32) -> (i32, i32, i32) {
    %c0_i32 = arith.constant 0 : i32
    %c0_i32_0 = arith.constant 0 : i32
    %c0_i32_1 = arith.constant 0 : i32
    return %c0_i32, %arg0, %c0_i32_0 : i32, i32, i32
  }
  func.func @transform_2(%arg0: i32) -> (i32, i32) {
    %c0_i32 = arith.constant 0 : i32
    %c0_i32_0 = arith.constant 0 : i32
    return %arg0, %c0_i32 : i32, i32
  }
}

module attributes {stable_mosaic.version = 14 : i64} {
  func.func @_mm_body(%arg0: i32, %arg1: memref<2x512x128xf32, #tpu.memory_space<vmem>>, %arg2: memref<2x512x1xf32, #tpu.memory_space<vmem>>, %arg3: memref<128x128xf32, #tpu.memory_space<vmem>>, %arg4: memref<1x128xf32, #tpu.memory_space<vmem>>, %arg5: memref<512x128xf32, #tpu.memory_space<vmem>>) attributes {dimension_semantics = [#tpu.dimension_semantics<arbitrary>], iteration_bounds = array<i64: 20>, scalar_prefetch = 0 : i64, scratch_operands = 0 : i64, tpu.core_type = #tpu.core_type<tc>, window_params = [{transform_indices = @transform_0, window_bounds = array<i64: 2, 512, 128>}, {transform_indices = @transform_1, window_bounds = array<i64: 2, 512, 1>}, {pipeline_mode = #tpu.pipeline_mode<synchronous>, transform_indices = @transform_2, window_bounds = array<i64: 128, 128>}, {pipeline_mode = #tpu.pipeline_mode<synchronous>, transform_indices = @transform_3, window_bounds = array<i64: 1, 128>}, {transform_indices = @transform_4, window_bounds = array<i64: 512, 128>}]} {
    %get3A = arith.constant 0 : index
    %get3A_0 = arith.constant 0 : index
    %get3A_1 = arith.constant 0 : index
    %get3A_2 = vector.load %arg1[%get3A, %get3A_0, %get3A_1] : memref<2x512x128xf32, #tpu.memory_space<vmem>>, vector<1x512x128xf32>
    %get3A_3 = vector.shape_cast %get3A_2 : vector<1x512x128xf32> to vector<512x128xf32>
    %get3A_4 = arith.constant 1 : index
    %get3A_5 = arith.constant 0 : index
    %get3A_6 = arith.constant 0 : index
    %get3A_7 = vector.load %arg1[%get3A_4, %get3A_5, %get3A_6] : memref<2x512x128xf32, #tpu.memory_space<vmem>>, vector<1x512x128xf32>
    %get3A_8 = vector.shape_cast %get3A_7 : vector<1x512x128xf32> to vector<512x128xf32>
    %add3A = arith.addf %get3A_3, %get3A_8 : vector<512x128xf32>
    %get3A_9 = arith.constant 0 : index
    %get3A_10 = arith.constant 0 : index
    %get3A_11 = arith.constant 0 : index
    %get3A_12 = vector.load %arg2[%get3A_9, %get3A_10, %get3A_11] : memref<2x512x1xf32, #tpu.memory_space<vmem>>, vector<1x512x1xf32>
    %get3A_13 = vector.shape_cast %get3A_12 : vector<1x512x1xf32> to vector<512x1xf32>
    %get3A_14 = arith.constant 1 : index
    %get3A_15 = arith.constant 0 : index
    %get3A_16 = arith.constant 0 : index
    %get3A_17 = vector.load %arg2[%get3A_14, %get3A_15, %get3A_16] : memref<2x512x1xf32, #tpu.memory_space<vmem>>, vector<1x512x1xf32>
    %get3A_18 = vector.shape_cast %get3A_17 : vector<1x512x1xf32> to vector<512x1xf32>
    %add3A_19 = arith.addf %get3A_13, %get3A_18 : vector<512x1xf32>
    %max3A = arith.constant 1.000000e+00 : f32
    %max3A_20 = vector.broadcast %max3A : f32 to vector<512x1xf32>
    %max3A_21 = arith.maximumf %add3A_19, %max3A_20 : vector<512x1xf32>
    %rsqrt3A = math.rsqrt %max3A_21 : vector<512x1xf32>
    %get3A_22 = arith.constant 0 : index
    %get3A_23 = arith.constant 0 : index
    %get3A_24 = vector.load %arg3[%get3A_22, %get3A_23] : memref<128x128xf32, #tpu.memory_space<vmem>>, vector<128x128xf32>
    %dot_general3A = arith.constant dense<0.000000e+00> : vector<512x128xf32>
    %dot_general3A_25 = tpu.matmul %add3A, %get3A_24, %dot_general3A {dimension_numbers = #tpu.dot_dimension_numbers<[1], [0], [0], [1], [0, 0, 1, 1], [], []>, transpose_lhs_hint = false} : vector<512x128xf32>, vector<128x128xf32>, vector<512x128xf32> -> vector<512x128xf32>
    %mul3A = vector.broadcast %rsqrt3A : vector<512x1xf32> to vector<512x128xf32>
    %mul3A_26 = arith.mulf %dot_general3A_25, %mul3A : vector<512x128xf32>
    %get3A_27 = arith.constant 0 : index
    %get3A_28 = arith.constant 0 : index
    %get3A_29 = vector.load %arg4[%get3A_27, %get3A_28] : memref<1x128xf32, #tpu.memory_space<vmem>>, vector<1x128xf32>
    %add3A_30 = vector.broadcast %get3A_29 : vector<1x128xf32> to vector<512x128xf32>
    %add3A_31 = arith.addf %mul3A_26, %add3A_30 : vector<512x128xf32>
    %swap3A = arith.constant 0 : index
    %swap3A_32 = arith.constant 0 : index
    %swap3A_33 = vector.load %arg5[%swap3A, %swap3A_32] : memref<512x128xf32, #tpu.memory_space<vmem>>, vector<512x128xf32>
    tpu.vector_store %arg5[%swap3A, %swap3A_32], %add3A_31 {strides = array<i32>} : memref<512x128xf32, #tpu.memory_space<vmem>>, vector<512x128xf32>,
    return
  }
  func.func @transform_0(%arg0: i32) -> (i32, i32, i32) {
    %c0_i32 = arith.constant 0 : i32
    %c0_i32_0 = arith.constant 0 : i32
    %c0_i32_1 = arith.constant 0 : i32
    return %c0_i32, %arg0, %c0_i32_0 : i32, i32, i32
  }
  func.func @transform_1(%arg0: i32) -> (i32, i32, i32) {
    %c0_i32 = arith.constant 0 : i32
    %c0_i32_0 = arith.constant 0 : i32
    %c0_i32_1 = arith.constant 0 : i32
    return %c0_i32, %arg0, %c0_i32_0 : i32, i32, i32
  }
  func.func @transform_2(%arg0: i32) -> (i32, i32) {
    %c0_i32 = arith.constant 0 : i32
    %c0_i32_0 = arith.constant 0 : i32
    %c0_i32_1 = arith.constant 0 : i32
    return %c0_i32, %c0_i32_0 : i32, i32
  }
  func.func @transform_3(%arg0: i32) -> (i32, i32) {
    %c0_i32 = arith.constant 0 : i32
    %c0_i32_0 = arith.constant 0 : i32
    %c0_i32_1 = arith.constant 0 : i32
    return %c0_i32, %c0_i32_0 : i32, i32
  }
  func.func @transform_4(%arg0: i32) -> (i32, i32) {
    %c0_i32 = arith.constant 0 : i32
    %c0_i32_0 = arith.constant 0 : i32
    return %arg0, %c0_i32 : i32, i32
  }
}

</mosaic_0001>

<sc_bundles>
// kernel: kernel.6.cloned.1.call-start
scs
__scs_entry_jumppad:
0x0: {  	(pc) =	sbr.rel $0x88, $3  }
0x1: {  	(tag) =	ssettag $0x0;
	lr =	simm.s32 $0x1  }
0x2: {  	[smem:$0x3F9D] =	sst lr;
	_ =	strace $0xD0000000  }
0x3: {  	_ = 	snop  }
0x4: {  	_ = 	snop  }
0x5: {  	_ = 	snop  }
0x6: {  	_ = 	snop  }
0x7: {  	_ = 	snop  }
__scs_overlays_trampoline_lowered:
0x8: {  	[smem:$0x3FAC] =	sst s0  }
0x9: {  	[smem:$0x3FAD] =	sst s1  }
0xa: {  	[smem:$0x3FAE] =	sst s2  }
0xb: {  	[smem:$0x3FAF] =	sst s3  }
0xc: {  	[smem:$0x3FB0] =	sst s4  }
0xd: {  	[smem:$0x3FB1] =	sst s5  }
0xe: {  	[smem:$0x3FB2] =	sst s6  }
0xf: {  	[smem:$0x3FB3] =	sst s7  }
0x10: {  	[smem:$0x3FB4] =	sst s8  }
0x11: {  	[smem:$0x3FB5] =	sst s9;
	s0 =	simm.s32 @!p0 $0x0  }
0x12: {  	s1 =	sld [smem:$0x3F9B];
	s0 =	simm.s32 @p0 $0x1  }
0x13: {  	[smem:$0x3FB6] =	sst s0;
	s0 =	simm.s32 @!p1 $0x0  }
0x14: {  	s2 =	sld [smem:$0x3F9A];
	s0 =	simm.s32 @p1 $0x1  }
0x15: {  	[smem:$0x3FB7] =	sst s0;
	s0 =	simm.s32 @!p2 $0x0  }
0x16: {  	s3 =	sld [smem:$0x3FDB];
	s0 =	simm.s32 @p2 $0x1  }
0x17: {  	s4 =	simm.s32 $0x1BF5;
	[smem:$0x3FB9] =	sst s0  }
0x18: {  	s0 =	sld [smem:$0x3F9C];
	_ =	swait.ge [sflag:s4], $0x0  }
0x19: {  	s7 =	sld [smem:$0x3F9D]  }
0x1a: {  	s8 =	sadd.s32 $0xFFFFE003, lr  }
0x1b: {  	s9 =	sadd.s32 $0xFFFFFEF7, lr;
	s5 =	simm.s32 $0xFFFFFFFF;
	p2 =	slt.u32 s8, $0xFFFFF086  }
0x1c: {  	p1 =	slt.u32 s9, $0xF7A;
	s5 =	simm.s32 @!p2 $0x0  }
0x1d: {  	s5 =	simm.s32 @p1 $0x1;
	p0 =	seq.s32 s7, s2  }
0x1e: {  	s7 =	smul.u32 @!p0 $0xF7A, s2;
	p2 =	seq.s32 @!p0 s5, $0x0  }
0x1f: {  	s9 =	smul.u32 $0xF7A, s1;
	s8 =	simm.s32 @!p0 $0x1BF5;
	p2 =	por !p2, p0  }
0x20: {  	[sflag:s8] =	ssyncset.s32 @!p0 $0xFFFFF086;
	s6 =	sadd.s32 @!p0 s3, s7;
	s7 =	simm.s32 @!p0 $0x108  }
0x21: {  	s3 =	sadd.s32 s3, s9;
	s6 =	sadd.s32 @!p0 $0x88, s6;
	s7 =	simm.s32 @p2 $0x1082  }
0x22: {  	[simem:s7], [sflag:s8] =	dma.local @!p0 [hbm:s6], $0xF7A  }
0x23: {  	s9 =	sor.u32 $0xD0000000, s2;
	s6 =	simm.s32 $0x108;
	_ =	swait.ge @!p0 [sflag:s8], $0x0  }
0x24: {  	s3 =	sadd.s32 $0x88, s3;
	s6 =	simm.s32 @!p1 $0x1082;
	[sflag:s4] =	ssyncset.s32 $0xFFFFF086  }
0x25: {  	[simem:s6], [sflag:s4] =	dma.local [hbm:s3], $0xF7A  }
0x26: {  	[smem:$0x3F9D] =	sst s1;
	(tag) =	ssettag s2;
	_ =	strace s9  }
0x27: {  	s1 =	sld [smem:$0x3FAD]  }
0x28: {  	s2 =	sld [smem:$0x3FAE]  }
0x29: {  	s4 =	sld [smem:$0x3FB0]  }
0x2a: {  	p0 =	seq.s32 s5, $0x0;
	s5 =	sld [smem:$0x3FB1]  }
0x2b: {  	s6 =	sld [smem:$0x3FB2]  }
0x2c: {  	s7 =	sld [smem:$0x3FB3]  }
0x2d: {  	s3 =	simm.s32 $0x108;
	s8 =	sld [smem:$0x3FB4]  }
0x2e: {  	s3 =	simm.s32 @!p0 $0x1082;
	s9 =	sld [smem:$0x3FB5]  }
0x2f: {  	lr =	sadd.s32 s0, s3;
	s0 =	sld [smem:$0x3FAC]  }
0x30: {  	s3 =	sld [smem:$0x3FAF]  }
0x31: {  	[smem:$0x3FB8] =	sst s10  }
0x32: {  	s10 =	sld [smem:$0x3FB6];
	_ =	sdelay $0x3  }
0x33: {  	p0 =	seq.s32 s10, $0x1;
	s10 =	sld [smem:$0x3FB8];
	_ =	sdelay $0x3  }
0x34: {  	[smem:$0x3FB8] =	sst s10  }
0x35: {  	s10 =	sld [smem:$0x3FB7];
	_ =	sdelay $0x3  }
0x36: {  	p1 =	seq.s32 s10, $0x1;
	s10 =	sld [smem:$0x3FB8];
	_ =	sdelay $0x3  }
0x37: {  	[smem:$0x3FB8] =	sst s10  }
0x38: {  	s10 =	sld [smem:$0x3FB9]  }
0x39: {  	_ = 	snop;
	(pc) =	sbr.ind lr, $3  }
0x3a: {  	_ = 	snop  }
0x3b: {  	_ = 	snop  }
0x3c: {  	p2 =	seq.s32 s10, $0x1;
	s10 =	sld [smem:$0x3FB8]  }
0x3d: {  	_ =	shalt  }
0x3e: {  	_ =	shalt  }
0x3f: {  	_ =	shalt  }
0x40: {  	_ =	shalt  }
0x41: {  	_ =	shalt  }
0x42: {  	_ =	shalt  }
0x43: {  	_ =	shalt  }
0x44: {  	_ =	shalt  }
0x45: {  	_ =	shalt  }
0x46: {  	_ =	shalt  }
0x47: {  	_ =	shalt  }
0x48: {  	_ =	shalt  }
0x49: {  	_ =	shalt  }
0x4a: {  	_ =	shalt  }
0x4b: {  	_ =	shalt  }
0x4c: {  	_ =	shalt  }
0x4d: {  	_ =	shalt  }
0x4e: {  	_ =	shalt  }
0x4f: {  	_ =	shalt  }
0x50: {  	_ =	shalt  }
0x51: {  	_ =	shalt  }
0x52: {  	_ =	shalt  }
0x53: {  	_ =	shalt  }
0x54: {  	_ =	shalt  }
0x55: {  	_ =	shalt  }
0x56: {  	_ =	shalt  }
0x57: {  	_ =	shalt  }
0x58: {  	_ =	shalt  }
0x59: {  	_ =	shalt  }
0x5a: {  	_ =	shalt  }
0x5b: {  	_ =	shalt  }
0x5c: {  	_ =	shalt  }
0x5d: {  	_ =	shalt  }
0x5e: {  	_ =	shalt  }
0x5f: {  	_ =	shalt  }
0x60: {  	_ =	shalt  }
0x61: {  	_ =	shalt  }
0x62: {  	_ =	shalt  }
0x63: {  	_ =	shalt  }
0x64: {  	_ =	shalt  }
0x65: {  	_ =	shalt  }
0x66: {  	_ =	shalt  }
0x67: {  	_ =	shalt  }
0x68: {  	_ =	shalt  }
0x69: {  	_ =	shalt  }
0x6a: {  	_ =	shalt  }
0x6b: {  	_ =	shalt  }
0x6c: {  	_ =	shalt  }
0x6d: {  	_ =	shalt  }
0x6e: {  	_ =	shalt  }
0x6f: {  	_ =	shalt  }
0x70: {  	_ =	shalt  }
0x71: {  	_ =	shalt  }
0x72: {  	_ =	shalt  }
0x73: {  	_ =	shalt  }
0x74: {  	_ =	shalt  }
0x75: {  	_ =	shalt  }
0x76: {  	_ =	shalt  }
0x77: {  	_ =	shalt  }
0x78: {  	_ =	shalt  }
0x79: {  	_ =	shalt  }
0x7a: {  	_ =	shalt  }
0x7b: {  	_ =	shalt  }
0x7c: {  	_ =	shalt  }
0x7d: {  	_ =	shalt  }
0x7e: {  	_ =	shalt  }
0x7f: {  	_ =	shalt  }
0x80: {  	_ =	shalt  }
0x81: {  	_ =	shalt  }
0x82: {  	_ =	shalt  }
0x83: {  	_ =	shalt  }
0x84: {  	_ =	shalt  }
0x85: {  	_ =	shalt  }
0x86: {  	_ =	shalt  }
0x87: {  	_ =	shalt  }
.Lfunc_end0:
.L_simem_size_0:
called_computation_lowered:
.L_overlay_start_0:
0x88: {  	s2 =	sld [smem:$0x3FD9]  }
0x89: {  	s3 =	sld [smem:$0x3FFE];
	_ =	sdelay $0x1  }
0x8a: {  	s1 =	srdreg.scid  }
0x8b: {  	s0 =	sand.u32 $0x1, s1  }
0x8c: {  	s17 =	sshll.u32 s0, $0xA;
	s2 =	sadd.s32 s3, s2  }
0x8d: {  	s2 =	sadd.s32 s2, s17  }
0x8e: {  	[smem:$0x3FC4] =	sst s2  }
0x8f: {  	_ = 	snop  }
0x90: {  	s2 =	sld [smem:$0x3FD0];
	(tm) =	ssettm $0x1  }
0x91: {  	s18 =	sld [smem:$0x3FFB];
	_ =	sdelay $0x3  }
0x92: {  	_ =	strace s18  }
0x93: {  	s3 =	sld [smem:$0x3FFC];
	_ =	sdelay $0x3  }
0x94: {  	_ =	strace s3  }
0x95: {  	s3 =	sld [smem:$0x3FFD];
	_ =	sdelay $0x3  }
0x96: {  	_ =	strace s3  }
0x97: {  	_ =	strace $0x8FFFFFFF  }
0x98: {  	s19 =	sld [smem:$0x3FDB];
	_ =	sdelay $0x1  }
0x99: {  	s4 =	simm.s32 $_scs_section_size  }
0x9a: {  	s5 =	simm.s32 $_size__tile_overlayer_lowered;
	s6 =	simm.s32 $_tile_overlayer_lowered  }
0x9b: {  	s22 =	simm.s32 $0x1BFF;
	s21 =	sshll.u32 s6, $0x1;
	s3 =	sadd.s32 s4, s19  }
0x9c: {  	s7 =	simm.s32 $0x0;
	s20 =	sshll.u32 s5, $0x1;
	s5 =	sadd.s32 s21, s3  }
0x9d: {  	[timem:s7], [sflag:s22] =	dma.local [hbm:s5], s20  }
0x9e: {  	_ =	swait.ge [sflag:s22], s20  }
0x9f: {  	s4 =	ssub.s32 $0x0, s20;
	[sflag:s22] =	ssyncset.done $0x0  }
0xa0: {  	[sflag:s22] =	ssyncadd.s32 s4;
	_ =	sdelay $0x1  }
0xa1: {  	s23 =	simm.s32 $0x1B8B  }
0xa2: {  	_ =	swait.ge [sflag:s23], $0x1  }
0xa3: {  	[sflag:s23] =	ssyncset.done $0x0  }
0xa4: {  	s25 =	simm.s32 $0x1B8E;
	s24 =	sld [smem:$0x3FFE];
	[sflag:s23] =	ssyncadd.s32 $0xFFFFFFFF  }
0xa5: {  	s26 =	simm.s32 $execute0_lowered;
	[smem:$0x3FD2] =	sst s25  }
0xa6: {  	s5 =	sshll.u32 s26, $0x1;
	_ =	strace $0x80000046;
	[dreg:$0x1] =	wrdreg $0xFFFFFFFF  }
0xa7: {  	s28 =	simm.s32 $_size_execute0_lowered;
	s3 =	sadd.s32 s3, s5;
	[dreg:$0x0] =	wrdreg $0x0  }
0xa8: {  	s5 =	sshll.u32 s28, $0x1;
	[dreg:$0x2] =	wrdreg s3  }
0xa9: {  	[dreg:$0x3] =	wrdreg s5  }
0xaa: {  	[dreg:$0x4] =	wrdreg $0xC0  }
0xab: {  	_ =	task [dreg:s7], $0x5FFFF  }
0xac: {  	[dreg:$0x1] =	wrdreg $0xFFFFFFFF  }
0xad: {  	[dreg:$0x0] =	wrdreg $0x60  }
0xae: {  	[dreg:$0x2] =	wrdreg s24  }
0xaf: {  	[dreg:$0x3] =	wrdreg s2  }
0xb0: {  	[dreg:$0x4] =	wrdreg $0x53000  }
0xb1: {  	[dreg:$0x5] =	wrdreg $0x55800  }
0xb2: {  	[dreg:$0x6] =	wrdreg $0x9  }
0xb3: {  	_ =	task.clear_ibuf [dreg:s7], $0x7FFFF;
	_ =	strace $0x90000046  }
0xb4: {  	s29 =	simm.s32 $0x9;
	_ =	strace $0x80000048  }
0xb5: {  	_ =	swait.ge [sflag:s29], $0x1  }
0xb6: {  	[sflag:s29] =	ssyncadd.s32 $0xFFFFFFFF  }
0xb7: {  	_ =	strace $0x90000048  }
0xb8: {  	_ =	sfence  }
0xb9: {  	s30 =	sld [smem:$0x0];
	_ =	sdelay $0x2  }
0xba: {  	s31 =	sshll.u32 s1, $0xD;
	s1 =	sshrl.u32 s1, $0x2  }
0xbb: {  	s3 =	sand.u32 $0x4000, s31;
	s1 =	sadd.s32 s1, s30  }
0xbc: {  	s0 =	sor.u32 s3, s0;
	s1 =	sshll.u32 s1, $0x11  }
0xbd: {  	s0 =	sor.u32 s1, s0  }
0xbe: {  	s0 =	sadd.s32 $0x8F2B, s0  }
0xbf: {  	[sflag:s0] =	ssyncadd.remote.s32 $0x1  }
0xc0: {  	_ =	sfence.sel $0xFFFF  }
0xc1: {  	[dreg:$0x0] =	wrdreg $0xFFFFFFFF;
	(pc) =	sbr.abs _section_cstart, $3  }
0xc2: {  	[dreg:$0x1] =	wrdreg $0xFFFFFFFF  }
0xc3: {  	_ =	task.clear_ibuf [dreg:s7], $0x2FFFF;
	_ =	strace $0x9FFFFFFF  }
0xc4: {  	(tm) =	ssettm $0x7FFFFFFF  }
0xc5: {  	_ =	shalt  }
tec
execute0_lowered:
.L_overlay_start_1:
0x0: {  	(tag) =	ssettag $0x1  }
0x1: {  	s7 =	rddreg [dreg:$0x0]  }
0x2: {  	s10 =	rddreg [dreg:$0x1]  }
0x3: {  	s0 =	srdreg.scid;
	s2 =	rddreg [dreg:$0x2]  }
0x4: {  	s3 =	rddreg [dreg:$0x3];
	s4 =	simm.s32 $0x0;
	s16 =	simm.s32 $0x5000  }
0x5: {  	s17 =	simm.s32 $0x2800;
	s18 =	simm.s32 $0x80;
	s19 =	simm.s32 $0x100  }
0x6: {  	s20 =	simm.s32 $0x0;
	s6 =	sand.u32 $0x1, s0;
	s0 =	stileid.u32  }
0x7: {  	[smem:$0x7FF] =	sst s4;
	s1 =	sshll.u32 s6, $0x4;
	s8 =	smul.u32 $0x500, s0  }
0x8: {  	s9 =	sshll.u32 s6, $0x7;
	s30 =	ssub.s32 $0x2, s6;
	s13 =	smul.u32 $0x280, s0  }
0x9: {  	s6 =	sadd.s32 $0xB800, s7;
	s5 =	sor.u32 s0, s1;
	s1 =	rddreg [dreg:$0x4]  }
0xa: {  	_ =	strace $0x80000047;
	s11 =	smul.u32 $0x500, s5;
	s8 =	sor.u32 s9, s8  }
0xb: {  	s31 =	sshrl.u32 s30, $0x1;
	s5 =	sadd.s32 $0xBA00, s7;
	s8 =	sshrl.u32 s8, $0x3  }
0xc: {  	s15 =	ssub.s32 s30, s31;
	s12 =	sadd.s32 s11, s7;
	s14 =	sadd.s32 s8, s7  }
0xd: {  	s7 =	sadd.s32 s13, s2;
	s8 =	sadd.s32 s13, s3;
	s10 =	sadd.s32 s10, s11  }
0xe: {  	s13 =	smax.u32 s15, $0x1;
	s15 =	simm.s32 $0x1;
	s9 =	sadd.s32 $0x1800, s12  }
0xf: {  	s11 =	sadd.s32 $0xBC00, s14;
	s12 =	sadd.s32 $0xC600, s14;
	s14 =	simm.s32 $0x5080  }
.LBB2_1:
0x10: {  	[tilespmem:s14], [sflag:$0x1] =	stream.linear.gather [hbm4b:s6+s4], $0x280, $0x38;
	[tilespmem:$0x5800] =	vst v63  }
0x11: {  	_ =	swait.ge [sflag:s15], $0x280  }
0x12: {  	[sflag:s15] =	ssyncset.done $0x0  }
0x13: {  	[sflag:s15] =	ssyncadd.s32 $0xFFFFFD80  }
0x14: {  	[spmem:s7] =	stream.linear.scatter [tilespmem:s14], [sflag:$0x1], $0x280, $0x38;
	[tilespmem:$0x5800] =	vst v63  }
0x15: {  	_ =	swait.ge [sflag:s15], $0x280  }
0x16: {  	[sflag:s15] =	ssyncset.done $0x0  }
0x17: {  	[sflag:s15] =	ssyncadd.s32 $0xFFFFFD80  }
0x18: {  	[spmem:s8] =	stream.linear.scatter [tilespmem:s14], [sflag:$0x1], $0x280, $0x38;
	[tilespmem:$0x5800] =	vst v63  }
0x19: {  	_ =	swait.ge [sflag:s15], $0x280  }
0x1a: {  	[sflag:s15] =	ssyncset.done $0x0  }
0x1b: {  	[sflag:s15] =	ssyncadd.s32 $0xFFFFFD80  }
0x1c: {  	[tilespmem:s16], [sflag:$0x1] =	stream.linear.gather [hbm4b:s5+s4], $0x80, $0x38;
	[tilespmem:$0x5800] =	vst v63  }
0x1d: {  	_ =	swait.ge [sflag:s15], $0x80  }
0x1e: {  	[sflag:s15] =	ssyncset.done $0x0  }
0x1f: {  	[sflag:s15] =	ssyncadd.s32 $0xFFFFFF80  }
0x20: {  	[tilespmem:s4], [sflag:$0x1] =	stream.linear.gather [hbm4b:s9+s4], $0x2800, $0x38;
	[tilespmem:$0x5800] =	vst v63  }
0x21: {  	_ =	swait.ge [sflag:s15], $0x2800  }
0x22: {  	[sflag:s15] =	ssyncset.done $0x0  }
0x23: {  	[sflag:s15] =	ssyncadd.s32 $0xFFFFD800  }
0x24: {  	[tilespmem:s17], [sflag:$0x1] =	stream.linear.gather [hbm4b:s10+s4], $0x2800, $0x38;
	[tilespmem:$0x5800] =	vst v63  }
0x25: {  	_ =	swait.ge [sflag:s15], $0x2800  }
0x26: {  	[sflag:s15] =	ssyncset.done $0x0  }
0x27: {  	[sflag:s15] =	ssyncadd.s32 $0xFFFFD800  }
0x28: {  	s21 =	simm.s32 $0x0;
	[bflag:$0x0] =	sbarrier.arrive $0xFFFF  }
0x29: {  	[spmem:s2] =	stream.indirect.scatter.add.f32 [tilespmem:s16], [sflag:$0x1], $0x1, s21, s18, $0xb8;
	[tilespmem:$0x5800] =	vst v63  }
0x2a: {  	_ =	swait.ge [sflag:s15], $0x80  }
0x2b: {  	[sflag:s15] =	ssyncset.done $0x0  }
0x2c: {  	s31 =	simm.s32 $0x2800;
	[sflag:s15] =	ssyncadd.s32 $0xFFFFFF80  }
0x2d: {  	[spmem:s3] =	stream.indirect.scatter.add.f32 [tilespmem:s16], [sflag:$0x1], $0x1, s31, s18, $0xb8;
	[tilespmem:$0x5800] =	vst v63  }
0x2e: {  	_ =	swait.ge [sflag:s15], $0x80  }
0x2f: {  	s22 =	simm.s32 $0x400;
	s21 =	simm.s32 $0x200;
	[sflag:s15] =	ssyncset.done $0x0  }
.LBB2_2:
0x30: {  	s23 =	sshra.s32 s21, $0x2  }
0x31: {  	[sflag:s15] =	ssyncadd.s32 $0xFFFFFF80;
	s21 =	smov.u32 s22;
	s24 =	sadd.s32 $0x200, s22  }
0x32: {  	[spmem:s2] =	stream.indirect.scatter.add.f32 [tilespmem:s16], [sflag:$0x1], $0x1, s23, s18, $0xb8;
	[tilespmem:$0x5800] =	vst v63  }
0x33: {  	p0 =	sne.s32 s22, $0x9E00;
	_ =	swait.ge [sflag:s15], $0x80  }
.Ltmp0:
0x34: {  	[sflag:s15] =	ssyncset.done $0x0;
	(pc) =	sbr.rel @p0 .LBB2_2-.Ltmp0, $4  }
0x35: {  	s22 =	sadd.s32 $0x2800, s23;
	[sflag:s15] =	ssyncadd.s32 $0xFFFFFF80  }
0x36: {  	[spmem:s3] =	stream.indirect.scatter.add.f32 [tilespmem:s16], [sflag:$0x1], $0x1, s22, s18, $0xb8;
	[tilespmem:$0x5800] =	vst v63  }
0x37: {  	_ =	swait.ge [sflag:s15], $0x80  }
0x38: {  	s22 =	smov.u32 s24;
	[sflag:s15] =	ssyncset.done $0x0  }
0x39: {  	s21 =	sshra.s32 s21, $0x2;
	[sflag:s15] =	ssyncadd.s32 $0xFFFFFF80  }
0x3a: {  	[spmem:s2] =	stream.indirect.scatter.add.f32 [tilespmem:s16], [sflag:$0x1], $0x1, s21, s18, $0xb8;
	[tilespmem:$0x5800] =	vst v63  }
0x3b: {  	_ =	swait.ge [sflag:s15], $0x80  }
0x3c: {  	[sflag:s15] =	ssyncset.done $0x0  }
0x3d: {  	s21 =	sadd.s32 $0x2800, s21;
	[sflag:s15] =	ssyncadd.s32 $0xFFFFFF80  }
0x3e: {  	[spmem:s3] =	stream.indirect.scatter.add.f32 [tilespmem:s16], [sflag:$0x1], $0x1, s21, s18, $0xb8;
	[tilespmem:$0x5800] =	vst v63  }
0x3f: {  	_ =	swait.ge [sflag:s15], $0x80  }
0x40: {  	[sflag:s15] =	ssyncset.done $0x0  }
0x41: {  	[sflag:s15] =	ssyncadd.s32 $0xFFFFFF80  }
0x42: {  	[bflag:$0x0] =	sbarrier.arrive $0xFFFF  }
0x43: {  	[tilespmem:s14], [sflag:$0x1] =	stream.linear.gather [spmem:s7], $0x280, $0x38;
	[tilespmem:$0x5800] =	vst v63  }
0x44: {  	_ =	swait.ge [sflag:s15], $0x280  }
0x45: {  	[sflag:s15] =	ssyncset.done $0x0  }
0x46: {  	[sflag:s15] =	ssyncadd.s32 $0xFFFFFD80  }
0x47: {  	[hbm4b:s11+s18] =	stream.strided.scatter [tilespmem:s14], [sflag:$0x1], $0x280, s19, s18, $0x38;
	[tilespmem:$0x5800] =	vst v63  }
0x48: {  	_ =	swait.ge [sflag:s15], $0x280  }
0x49: {  	[sflag:s15] =	ssyncset.done $0x0  }
0x4a: {  	[sflag:s15] =	ssyncadd.s32 $0xFFFFFD80  }
0x4b: {  	[tilespmem:s14], [sflag:$0x1] =	stream.linear.gather [spmem:s8], $0x280, $0x38;
	[tilespmem:$0x5800] =	vst v63  }
0x4c: {  	s20 =	sadd.s32 $0x1, s20;
	_ =	swait.ge [sflag:s15], $0x280  }
0x4d: {  	p0 =	sne.s32 s20, s13;
	[sflag:s15] =	ssyncset.done $0x0  }
.Ltmp1:
0x4e: {  	[sflag:s15] =	ssyncadd.s32 $0xFFFFFD80;
	(pc) =	sbr.rel @p0 .LBB2_1-.Ltmp1, $4  }
0x4f: {  	[hbm4b:s12+s18] =	stream.strided.scatter [tilespmem:s14], [sflag:$0x1], $0x280, s19, s18, $0x38;
	[tilespmem:$0x5800] =	vst v63  }
0x50: {  	_ =	swait.ge [sflag:s15], $0x280  }
0x51: {  	[sflag:s15] =	ssyncset.done $0x0  }
0x52: {  	[sflag:s15] =	ssyncadd.s32 $0xFFFFFD80  }
0x53: {  	_ =	sfence.sel $0x180000  }
0x54: {  	[bflag:$0x0] =	sbarrier.arrive $0xFFFF  }
0x55: {  	p0 =	sne.s32 s0, $0x0;
	_ =	strace $0x90000047  }
0x56: {  	s0 =	sadd.s32 @!p0 $0x100000, s1;
	[bflag:$0x2] =	sbarrier.arrive $0xFFFF  }
0x57: {  	[sflag:s0] =	ssyncadd.tile.s32 @!p0 $0x1;
	_ =	shalt  }
.Lfunc_end2:
_tile_overlayer_lowered:
.L_overlay_start_2:
0x58: {  	(tag) =	ssettag $0x2  }
0x59: {  	s0 =	rddreg [dreg:$0x0];
	s2 =	stileid.u32  }
0x5a: {  	s1 =	rddreg [dreg:$0x1];
	p0 =	sne.s32 s2, $0x0  }
0x5b: {  	s3 =	rddreg [dreg:$0x2];
	[bflag:$0x3] =	sbarrier.arrive $0xFFFF;
	s2 =	simm.s32 @!p0 $0x1C01  }
0x5c: {  	[timem:s3], [sflag:s2] =	dma.local @!p0 [hbm:s0], s1  }
0x5d: {  	s0 =	simm.s32 @!p0 $0x1  }
0x5e: {  	_ =	swait.ge @!p0 [sflag:s0], s1  }
0x5f: {  	s1 =	ssub.s32 @!p0 $0x0, s1;
	[sflag:s0] =	ssyncset.done @!p0 $0x0  }
0x60: {  	[sflag:s0] =	ssyncadd.s32 @!p0 s1  }
0x61: {  	[bflag:$0x3] =	sbarrier.arrive $0xFFFF  }
0x62: {  	_ =	shalt  }

// kernel: kernel.9.cloned.1.call-start
scs
__scs_entry_jumppad:
0x0: {  	(pc) =	sbr.rel $0x88, $3  }
0x1: {  	(tag) =	ssettag $0x0;
	lr =	simm.s32 $0x1  }
0x2: {  	[smem:$0x3F9D] =	sst lr;
	_ =	strace $0xD0000000  }
0x3: {  	_ = 	snop  }
0x4: {  	_ = 	snop  }
0x5: {  	_ = 	snop  }
0x6: {  	_ = 	snop  }
0x7: {  	_ = 	snop  }
__scs_overlays_trampoline_lowered:
0x8: {  	[smem:$0x3FAC] =	sst s0  }
0x9: {  	[smem:$0x3FAD] =	sst s1  }
0xa: {  	[smem:$0x3FAE] =	sst s2  }
0xb: {  	[smem:$0x3FAF] =	sst s3  }
0xc: {  	[smem:$0x3FB0] =	sst s4  }
0xd: {  	[smem:$0x3FB1] =	sst s5  }
0xe: {  	[smem:$0x3FB2] =	sst s6  }
0xf: {  	[smem:$0x3FB3] =	sst s7  }
0x10: {  	[smem:$0x3FB4] =	sst s8  }
0x11: {  	[smem:$0x3FB5] =	sst s9;
	s0 =	simm.s32 @!p0 $0x0  }
0x12: {  	s1 =	sld [smem:$0x3F9B];
	s0 =	simm.s32 @p0 $0x1  }
0x13: {  	[smem:$0x3FB6] =	sst s0;
	s0 =	simm.s32 @!p1 $0x0  }
0x14: {  	s2 =	sld [smem:$0x3F9A];
	s0 =	simm.s32 @p1 $0x1  }
0x15: {  	[smem:$0x3FB7] =	sst s0;
	s0 =	simm.s32 @!p2 $0x0  }
0x16: {  	s3 =	sld [smem:$0x3FDB];
	s0 =	simm.s32 @p2 $0x1  }
0x17: {  	s4 =	simm.s32 $0x1BF5;
	[smem:$0x3FB9] =	sst s0  }
0x18: {  	s0 =	sld [smem:$0x3F9C];
	_ =	swait.ge [sflag:s4], $0x0  }
0x19: {  	s7 =	sld [smem:$0x3F9D]  }
0x1a: {  	s8 =	sadd.s32 $0xFFFFE003, lr  }
0x1b: {  	s9 =	sadd.s32 $0xFFFFFEF7, lr;
	s5 =	simm.s32 $0xFFFFFFFF;
	p2 =	slt.u32 s8, $0xFFFFF086  }
0x1c: {  	p1 =	slt.u32 s9, $0xF7A;
	s5 =	simm.s32 @!p2 $0x0  }
0x1d: {  	s5 =	simm.s32 @p1 $0x1;
	p0 =	seq.s32 s7, s2  }
0x1e: {  	s7 =	smul.u32 @!p0 $0xF7A, s2;
	p2 =	seq.s32 @!p0 s5, $0x0  }
0x1f: {  	s9 =	smul.u32 $0xF7A, s1;
	s8 =	simm.s32 @!p0 $0x1BF5;
	p2 =	por !p2, p0  }
0x20: {  	[sflag:s8] =	ssyncset.s32 @!p0 $0xFFFFF086;
	s6 =	sadd.s32 @!p0 s3, s7;
	s7 =	simm.s32 @!p0 $0x108  }
0x21: {  	s3 =	sadd.s32 s3, s9;
	s6 =	sadd.s32 @!p0 $0x88, s6;
	s7 =	simm.s32 @p2 $0x1082  }
0x22: {  	[simem:s7], [sflag:s8] =	dma.local @!p0 [hbm:s6], $0xF7A  }
0x23: {  	s9 =	sor.u32 $0xD0000000, s2;
	s6 =	simm.s32 $0x108;
	_ =	swait.ge @!p0 [sflag:s8], $0x0  }
0x24: {  	s3 =	sadd.s32 $0x88, s3;
	s6 =	simm.s32 @!p1 $0x1082;
	[sflag:s4] =	ssyncset.s32 $0xFFFFF086  }
0x25: {  	[simem:s6], [sflag:s4] =	dma.local [hbm:s3], $0xF7A  }
0x26: {  	[smem:$0x3F9D] =	sst s1;
	(tag) =	ssettag s2;
	_ =	strace s9  }
0x27: {  	s1 =	sld [smem:$0x3FAD]  }
0x28: {  	s2 =	sld [smem:$0x3FAE]  }
0x29: {  	s4 =	sld [smem:$0x3FB0]  }
0x2a: {  	p0 =	seq.s32 s5, $0x0;
	s5 =	sld [smem:$0x3FB1]  }
0x2b: {  	s6 =	sld [smem:$0x3FB2]  }
0x2c: {  	s7 =	sld [smem:$0x3FB3]  }
0x2d: {  	s3 =	simm.s32 $0x108;
	s8 =	sld [smem:$0x3FB4]  }
0x2e: {  	s3 =	simm.s32 @!p0 $0x1082;
	s9 =	sld [smem:$0x3FB5]  }
0x2f: {  	lr =	sadd.s32 s0, s3;
	s0 =	sld [smem:$0x3FAC]  }
0x30: {  	s3 =	sld [smem:$0x3FAF]  }
0x31: {  	[smem:$0x3FB8] =	sst s10  }
0x32: {  	s10 =	sld [smem:$0x3FB6];
	_ =	sdelay $0x3  }
0x33: {  	p0 =	seq.s32 s10, $0x1;
	s10 =	sld [smem:$0x3FB8];
	_ =	sdelay $0x3  }
0x34: {  	[smem:$0x3FB8] =	sst s10  }
0x35: {  	s10 =	sld [smem:$0x3FB7];
	_ =	sdelay $0x3  }
0x36: {  	p1 =	seq.s32 s10, $0x1;
	s10 =	sld [smem:$0x3FB8];
	_ =	sdelay $0x3  }
0x37: {  	[smem:$0x3FB8] =	sst s10  }
0x38: {  	s10 =	sld [smem:$0x3FB9]  }
0x39: {  	_ = 	snop;
	(pc) =	sbr.ind lr, $3  }
0x3a: {  	_ = 	snop  }
0x3b: {  	_ = 	snop  }
0x3c: {  	p2 =	seq.s32 s10, $0x1;
	s10 =	sld [smem:$0x3FB8]  }
0x3d: {  	_ =	shalt  }
0x3e: {  	_ =	shalt  }
0x3f: {  	_ =	shalt  }
0x40: {  	_ =	shalt  }
0x41: {  	_ =	shalt  }
0x42: {  	_ =	shalt  }
0x43: {  	_ =	shalt  }
0x44: {  	_ =	shalt  }
0x45: {  	_ =	shalt  }
0x46: {  	_ =	shalt  }
0x47: {  	_ =	shalt  }
0x48: {  	_ =	shalt  }
0x49: {  	_ =	shalt  }
0x4a: {  	_ =	shalt  }
0x4b: {  	_ =	shalt  }
0x4c: {  	_ =	shalt  }
0x4d: {  	_ =	shalt  }
0x4e: {  	_ =	shalt  }
0x4f: {  	_ =	shalt  }
0x50: {  	_ =	shalt  }
0x51: {  	_ =	shalt  }
0x52: {  	_ =	shalt  }
0x53: {  	_ =	shalt  }
0x54: {  	_ =	shalt  }
0x55: {  	_ =	shalt  }
0x56: {  	_ =	shalt  }
0x57: {  	_ =	shalt  }
0x58: {  	_ =	shalt  }
0x59: {  	_ =	shalt  }
0x5a: {  	_ =	shalt  }
0x5b: {  	_ =	shalt  }
0x5c: {  	_ =	shalt  }
0x5d: {  	_ =	shalt  }
0x5e: {  	_ =	shalt  }
0x5f: {  	_ =	shalt  }
0x60: {  	_ =	shalt  }
0x61: {  	_ =	shalt  }
0x62: {  	_ =	shalt  }
0x63: {  	_ =	shalt  }
0x64: {  	_ =	shalt  }
0x65: {  	_ =	shalt  }
0x66: {  	_ =	shalt  }
0x67: {  	_ =	shalt  }
0x68: {  	_ =	shalt  }
0x69: {  	_ =	shalt  }
0x6a: {  	_ =	shalt  }
0x6b: {  	_ =	shalt  }
0x6c: {  	_ =	shalt  }
0x6d: {  	_ =	shalt  }
0x6e: {  	_ =	shalt  }
0x6f: {  	_ =	shalt  }
0x70: {  	_ =	shalt  }
0x71: {  	_ =	shalt  }
0x72: {  	_ =	shalt  }
0x73: {  	_ =	shalt  }
0x74: {  	_ =	shalt  }
0x75: {  	_ =	shalt  }
0x76: {  	_ =	shalt  }
0x77: {  	_ =	shalt  }
0x78: {  	_ =	shalt  }
0x79: {  	_ =	shalt  }
0x7a: {  	_ =	shalt  }
0x7b: {  	_ =	shalt  }
0x7c: {  	_ =	shalt  }
0x7d: {  	_ =	shalt  }
0x7e: {  	_ =	shalt  }
0x7f: {  	_ =	shalt  }
0x80: {  	_ =	shalt  }
0x81: {  	_ =	shalt  }
0x82: {  	_ =	shalt  }
0x83: {  	_ =	shalt  }
0x84: {  	_ =	shalt  }
0x85: {  	_ =	shalt  }
0x86: {  	_ =	shalt  }
0x87: {  	_ =	shalt  }
.Lfunc_end0:
.L_simem_size_0:
called_computation.1_lowered:
.L_overlay_start_0:
0x88: {  	s2 =	sld [smem:$0x3FD9]  }
0x89: {  	s3 =	sld [smem:$0x3FFE];
	_ =	sdelay $0x1  }
0x8a: {  	s1 =	srdreg.scid  }
0x8b: {  	s0 =	sand.u32 $0x1, s1  }
0x8c: {  	s17 =	sshll.u32 s0, $0xA;
	s2 =	sadd.s32 s3, s2  }
0x8d: {  	s2 =	sadd.s32 s2, s17  }
0x8e: {  	[smem:$0x3FC4] =	sst s2  }
0x8f: {  	_ = 	snop  }
0x90: {  	s2 =	sld [smem:$0x3FD0];
	(tm) =	ssettm $0x1  }
0x91: {  	s18 =	sld [smem:$0x3FFB];
	_ =	sdelay $0x3  }
0x92: {  	_ =	strace s18  }
0x93: {  	s3 =	sld [smem:$0x3FFC];
	_ =	sdelay $0x3  }
0x94: {  	_ =	strace s3  }
0x95: {  	s3 =	sld [smem:$0x3FFD];
	_ =	sdelay $0x3  }
0x96: {  	_ =	strace s3  }
0x97: {  	_ =	strace $0x8FFFFFFF  }
0x98: {  	s19 =	sld [smem:$0x3FDB];
	_ =	sdelay $0x1  }
0x99: {  	s4 =	simm.s32 $_scs_section_size  }
0x9a: {  	s5 =	simm.s32 $_size__tile_overlayer_lowered;
	s6 =	simm.s32 $_tile_overlayer_lowered  }
0x9b: {  	s22 =	simm.s32 $0x1BFF;
	s21 =	sshll.u32 s6, $0x1;
	s3 =	sadd.s32 s4, s19  }
0x9c: {  	s7 =	simm.s32 $0x0;
	s20 =	sshll.u32 s5, $0x1;
	s5 =	sadd.s32 s21, s3  }
0x9d: {  	[timem:s7], [sflag:s22] =	dma.local [hbm:s5], s20  }
0x9e: {  	_ =	swait.ge [sflag:s22], s20  }
0x9f: {  	s4 =	ssub.s32 $0x0, s20;
	[sflag:s22] =	ssyncset.done $0x0  }
0xa0: {  	[sflag:s22] =	ssyncadd.s32 s4;
	_ =	sdelay $0x1  }
0xa1: {  	s23 =	simm.s32 $0x1B8B  }
0xa2: {  	_ =	swait.ge [sflag:s23], $0x1  }
0xa3: {  	[sflag:s23] =	ssyncset.done $0x0  }
0xa4: {  	s25 =	simm.s32 $0x1B8E;
	s24 =	sld [smem:$0x3FFE];
	[sflag:s23] =	ssyncadd.s32 $0xFFFFFFFF  }
0xa5: {  	s26 =	simm.s32 $execute0_lowered;
	[smem:$0x3FD2] =	sst s25  }
0xa6: {  	s5 =	sshll.u32 s26, $0x1;
	_ =	strace $0x80000049;
	[dreg:$0x1] =	wrdreg $0xFFFFFFFF  }
0xa7: {  	s28 =	simm.s32 $_size_execute0_lowered;
	s3 =	sadd.s32 s3, s5;
	[dreg:$0x0] =	wrdreg $0x0  }
0xa8: {  	s5 =	sshll.u32 s28, $0x1;
	[dreg:$0x2] =	wrdreg s3  }
0xa9: {  	[dreg:$0x3] =	wrdreg s5  }
0xaa: {  	[dreg:$0x4] =	wrdreg $0xC0  }
0xab: {  	_ =	task [dreg:s7], $0x5FFFF  }
0xac: {  	[dreg:$0x1] =	wrdreg $0xFFFFFFFF  }
0xad: {  	[dreg:$0x0] =	wrdreg $0x60  }
0xae: {  	[dreg:$0x2] =	wrdreg s24  }
0xaf: {  	[dreg:$0x3] =	wrdreg s2  }
0xb0: {  	[dreg:$0x4] =	wrdreg $0x90000  }
0xb1: {  	[dreg:$0x5] =	wrdreg $0x9  }
0xb2: {  	_ =	task.clear_ibuf [dreg:s7], $0x6FFFF;
	_ =	strace $0x90000049  }
0xb3: {  	s29 =	simm.s32 $0x9;
	_ =	strace $0x8000004B  }
0xb4: {  	_ =	swait.ge [sflag:s29], $0x1  }
0xb5: {  	[sflag:s29] =	ssyncadd.s32 $0xFFFFFFFF  }
0xb6: {  	_ =	strace $0x9000004B  }
0xb7: {  	_ =	sfence  }
0xb8: {  	s30 =	sld [smem:$0x0];
	_ =	sdelay $0x2  }
0xb9: {  	s31 =	sshll.u32 s1, $0xD;
	s1 =	sshrl.u32 s1, $0x2  }
0xba: {  	s3 =	sand.u32 $0x4000, s31;
	s1 =	sadd.s32 s1, s30  }
0xbb: {  	s0 =	sor.u32 s3, s0;
	s1 =	sshll.u32 s1, $0x11  }
0xbc: {  	s0 =	sor.u32 s1, s0  }
0xbd: {  	s0 =	sadd.s32 $0x8F2B, s0  }
0xbe: {  	[sflag:s0] =	ssyncadd.remote.s32 $0x1  }
0xbf: {  	_ =	sfence.sel $0xFFFF  }
0xc0: {  	[dreg:$0x0] =	wrdreg $0xFFFFFFFF;
	(pc) =	sbr.abs _section_cstart, $3  }
0xc1: {  	[dreg:$0x1] =	wrdreg $0xFFFFFFFF  }
0xc2: {  	_ =	task.clear_ibuf [dreg:s7], $0x2FFFF;
	_ =	strace $0x9FFFFFFF  }
0xc3: {  	(tm) =	ssettm $0x7FFFFFFF  }
tec
execute0_lowered:
.L_overlay_start_1:
0x0: {  	(tag) =	ssettag $0x1  }
0x1: {  	s6 =	rddreg [dreg:$0x0]  }
0x2: {  	s0 =	srdreg.scid;
	s12 =	rddreg [dreg:$0x1]  }
0x3: {  	s2 =	rddreg [dreg:$0x2];
	s3 =	simm.s32 $0x0;
	s22 =	simm.s32 $0x80  }
0x4: {  	s23 =	simm.s32 $0x1;
	s8 =	sand.u32 $0x1, s0;
	s0 =	stileid.u32  }
0x5: {  	[smem:$0x7FF] =	sst s3;
	s5 =	sadd.s32 $0xB800, s6;
	s7 =	smul.u32 $0x50000, s0  }
0x6: {  	s17 =	sadd.s32 $0x35000, s6;
	s1 =	sshll.u32 s8, $0x4;
	s14 =	smul.u32 $0x14000, s0  }
0x7: {  	s9 =	ssub.s32 $0x2, s8;
	s21 =	smul.u32 $0x140000, s8;
	s4 =	sor.u32 s0, s1  }
0x8: {  	s1 =	rddreg [dreg:$0x3];
	_ =	strace $0x8000004A;
	s24 =	sshrl.u32 s9, $0x1  }
0x9: {  	s13 =	smul.u32 $0x500, s4;
	s4 =	sadd.s32 $0xD000, s6;
	s18 =	ssub.s32 s9, s24  }
0xa: {  	s25 =	sshrl.u32 s7, $0x2;
	s15 =	sadd.s32 $0x4000, s14;
	s16 =	sadd.s32 $0x8000, s14  }
0xb: {  	s19 =	sadd.s32 $0xC000, s14;
	s20 =	sadd.s32 $0x10000, s14;
	s14 =	sadd.s32 s14, s21  }
0xc: {  	s24 =	simm.s32 $0x0;
	s7 =	sadd.s32 s15, s2;
	s8 =	sadd.s32 s16, s2  }
0xd: {  	s9 =	sadd.s32 s19, s2;
	s10 =	sadd.s32 s20, s2;
	s15 =	sadd.s32 s21, s15  }
0xe: {  	s26 =	sshrl.u32 s14, $0x3;
	s29 =	sadd.s32 s21, s16;
	s30 =	sadd.s32 s21, s19  }
0xf: {  	s31 =	sadd.s32 s21, s20;
	s18 =	smax.u32 s18, $0x1;
	s20 =	simm.s32 $0x2  }
0x10: {  	s21 =	simm.s32 $0x2800;
	s11 =	sadd.s32 s13, s6;
	s6 =	sadd.s32 s25, s2  }
0x11: {  	s12 =	sadd.s32 s12, s13;
	s28 =	sshrl.u32 s15, $0x3;
	s13 =	sadd.s32 s17, s26  }
0x12: {  	s15 =	sshrl.u32 s29, $0x3;
	s16 =	sshrl.u32 s30, $0x3;
	s19 =	sshrl.u32 s31, $0x3  }
0x13: {  	s11 =	sadd.s32 $0x1800, s11;
	s14 =	sadd.s32 s17, s28;
	s15 =	sadd.s32 s17, s15  }
0x14: {  	s16 =	sadd.s32 s17, s16;
	s17 =	sadd.s32 s17, s19;
	s19 =	simm.s32 $0x5000  }
.LBB2_1:
0x15: {  	[tilespmem:s19], [sflag:$0x2] =	stream.linear.gather [hbm4b:s5+s3], $0x4000, $0x38;
	[tilespmem:$0x1D000] =	vst v63  }
0x16: {  	_ =	swait.ge [sflag:s20], $0x4000  }
0x17: {  	[sflag:s20] =	ssyncset.done $0x0  }
0x18: {  	[sflag:s20] =	ssyncadd.s32 $0xFFFFC000  }
0x19: {  	[spmem:s6] =	stream.linear.scatter [tilespmem:s19], [sflag:$0x2], $0x4000, $0x38;
	[tilespmem:$0x1D000] =	vst v63  }
0x1a: {  	_ =	swait.ge [sflag:s20], $0x4000  }
0x1b: {  	[sflag:s20] =	ssyncset.done $0x0  }
0x1c: {  	[sflag:s20] =	ssyncadd.s32 $0xFFFFC000  }
0x1d: {  	[spmem:s7] =	stream.linear.scatter [tilespmem:s19], [sflag:$0x2], $0x4000, $0x38;
	[tilespmem:$0x1D000] =	vst v63  }
0x1e: {  	_ =	swait.ge [sflag:s20], $0x4000  }
0x1f: {  	[sflag:s20] =	ssyncset.done $0x0  }
0x20: {  	[sflag:s20] =	ssyncadd.s32 $0xFFFFC000  }
0x21: {  	[spmem:s8] =	stream.linear.scatter [tilespmem:s19], [sflag:$0x2], $0x4000, $0x38;
	[tilespmem:$0x1D000] =	vst v63  }
0x22: {  	_ =	swait.ge [sflag:s20], $0x4000  }
0x23: {  	[sflag:s20] =	ssyncset.done $0x0  }
0x24: {  	[sflag:s20] =	ssyncadd.s32 $0xFFFFC000  }
0x25: {  	[spmem:s9] =	stream.linear.scatter [tilespmem:s19], [sflag:$0x2], $0x4000, $0x38;
	[tilespmem:$0x1D000] =	vst v63  }
0x26: {  	_ =	swait.ge [sflag:s20], $0x4000  }
0x27: {  	[sflag:s20] =	ssyncset.done $0x0  }
0x28: {  	[sflag:s20] =	ssyncadd.s32 $0xFFFFC000  }
0x29: {  	[spmem:s10] =	stream.linear.scatter [tilespmem:s19], [sflag:$0x2], $0x4000, $0x38;
	[tilespmem:$0x1D000] =	vst v63  }
0x2a: {  	_ =	swait.ge [sflag:s20], $0x4000  }
0x2b: {  	[sflag:s20] =	ssyncset.done $0x0  }
0x2c: {  	[sflag:s20] =	ssyncadd.s32 $0xFFFFC000  }
0x2d: {  	[tilespmem:s3], [sflag:$0x2] =	stream.linear.gather [hbm4b:s11+s3], $0x2800, $0x38;
	[tilespmem:$0x1D000] =	vst v63  }
0x2e: {  	_ =	swait.ge [sflag:s20], $0x2800  }
0x2f: {  	[sflag:s20] =	ssyncset.done $0x0  }
0x30: {  	[sflag:s20] =	ssyncadd.s32 $0xFFFFD800  }
0x31: {  	[tilespmem:s21], [sflag:$0x2] =	stream.linear.gather [hbm4b:s12+s3], $0x2800, $0x38;
	[tilespmem:$0x1D000] =	vst v63  }
0x32: {  	_ =	swait.ge [sflag:s20], $0x2800  }
0x33: {  	[sflag:s20] =	ssyncset.done $0x0  }
0x34: {  	[sflag:s20] =	ssyncadd.s32 $0xFFFFD800  }
0x35: {  	s25 =	simm.s32 $0x0;
	[bflag:$0x0] =	sbarrier.arrive $0xFFFF  }
0x36: {  	[tilespmem:s19], [sflag:$0x1] =	stream.indirect.gather [hbm4b:s4+s22], $0x80, s25, s22, $0xb8;
	[tilespmem:$0x1D000] =	vst v63  }
0x37: {  	_ =	swait.ge [sflag:s23], $0x4000  }
0x38: {  	[sflag:s23] =	ssyncset.done $0x0  }
0x39: {  	s31 =	simm.s32 $0x2800;
	[sflag:s23] =	ssyncadd.s32 $0xFFFFC000  }
0x3a: {  	[spmem:s2] =	stream.indirect.scatter.add.f32 [tilespmem:s19], [sflag:$0x2], $0x80, s31, s22, $0xb8;
	[tilespmem:$0x1D000] =	vst v63  }
0x3b: {  	_ =	swait.ge [sflag:s20], $0x4000  }
0x3c: {  	s26 =	simm.s32 $0x400;
	s25 =	simm.s32 $0x200;
	[sflag:s20] =	ssyncset.done $0x0  }
.LBB2_2:
0x3d: {  	s28 =	sshra.s32 s25, $0x2  }
0x3e: {  	[sflag:s20] =	ssyncadd.s32 $0xFFFFC000;
	s25 =	smov.u32 s26;
	s29 =	sadd.s32 $0x200, s26  }
0x3f: {  	[tilespmem:s19], [sflag:$0x1] =	stream.indirect.gather [hbm4b:s4+s22], $0x80, s28, s22, $0xb8;
	[tilespmem:$0x1D000] =	vst v63  }
0x40: {  	p0 =	sne.s32 s26, $0x9E00;
	_ =	swait.ge [sflag:s23], $0x4000  }
.Ltmp0:
0x41: {  	[sflag:s23] =	ssyncset.done $0x0;
	(pc) =	sbr.rel @p0 .LBB2_2-.Ltmp0, $4  }
0x42: {  	s26 =	sadd.s32 $0x2800, s28;
	[sflag:s23] =	ssyncadd.s32 $0xFFFFC000  }
0x43: {  	[spmem:s2] =	stream.indirect.scatter.add.f32 [tilespmem:s19], [sflag:$0x2], $0x80, s26, s22, $0xb8;
	[tilespmem:$0x1D000] =	vst v63  }
0x44: {  	_ =	swait.ge [sflag:s20], $0x4000  }
0x45: {  	s26 =	smov.u32 s29;
	[sflag:s20] =	ssyncset.done $0x0  }
0x46: {  	s25 =	sshra.s32 s25, $0x2;
	[sflag:s20] =	ssyncadd.s32 $0xFFFFC000  }
0x47: {  	[tilespmem:s19], [sflag:$0x1] =	stream.indirect.gather [hbm4b:s4+s22], $0x80, s25, s22, $0xb8;
	[tilespmem:$0x1D000] =	vst v63  }
0x48: {  	_ =	swait.ge [sflag:s23], $0x4000  }
0x49: {  	[sflag:s23] =	ssyncset.done $0x0  }
0x4a: {  	s25 =	sadd.s32 $0x2800, s25;
	[sflag:s23] =	ssyncadd.s32 $0xFFFFC000  }
0x4b: {  	[spmem:s2] =	stream.indirect.scatter.add.f32 [tilespmem:s19], [sflag:$0x2], $0x80, s25, s22, $0xb8;
	[tilespmem:$0x1D000] =	vst v63  }
0x4c: {  	_ =	swait.ge [sflag:s20], $0x4000  }
0x4d: {  	[sflag:s20] =	ssyncset.done $0x0  }
0x4e: {  	[sflag:s20] =	ssyncadd.s32 $0xFFFFC000  }
0x4f: {  	[bflag:$0x0] =	sbarrier.arrive $0xFFFF  }
0x50: {  	[tilespmem:s19], [sflag:$0x2] =	stream.linear.gather [spmem:s6], $0x4000, $0x38;
	[tilespmem:$0x1D000] =	vst v63  }
0x51: {  	_ =	swait.ge [sflag:s20], $0x4000  }
0x52: {  	[sflag:s20] =	ssyncset.done $0x0  }
0x53: {  	[sflag:s20] =	ssyncadd.s32 $0xFFFFC000  }
0x54: {  	[hbm4b:s13+s3] =	stream.linear.scatter [tilespmem:s19], [sflag:$0x2], $0x4000, $0x38;
	[tilespmem:$0x1D000] =	vst v63  }
0x55: {  	_ =	swait.ge [sflag:s20], $0x4000  }
0x56: {  	[sflag:s20] =	ssyncset.done $0x0  }
0x57: {  	[sflag:s20] =	ssyncadd.s32 $0xFFFFC000  }
0x58: {  	[tilespmem:s19], [sflag:$0x2] =	stream.linear.gather [spmem:s7], $0x4000, $0x38;
	[tilespmem:$0x1D000] =	vst v63  }
0x59: {  	_ =	swait.ge [sflag:s20], $0x4000  }
0x5a: {  	[sflag:s20] =	ssyncset.done $0x0  }
0x5b: {  	[sflag:s20] =	ssyncadd.s32 $0xFFFFC000  }
0x5c: {  	[hbm4b:s14+s3] =	stream.linear.scatter [tilespmem:s19], [sflag:$0x2], $0x4000, $0x38;
	[tilespmem:$0x1D000] =	vst v63  }
0x5d: {  	_ =	swait.ge [sflag:s20], $0x4000  }
0x5e: {  	[sflag:s20] =	ssyncset.done $0x0  }
0x5f: {  	[sflag:s20] =	ssyncadd.s32 $0xFFFFC000  }
0x60: {  	[tilespmem:s19], [sflag:$0x2] =	stream.linear.gather [spmem:s8], $0x4000, $0x38;
	[tilespmem:$0x1D000] =	vst v63  }
0x61: {  	_ =	swait.ge [sflag:s20], $0x4000  }
0x62: {  	[sflag:s20] =	ssyncset.done $0x0  }
0x63: {  	[sflag:s20] =	ssyncadd.s32 $0xFFFFC000  }
0x64: {  	[hbm4b:s15+s3] =	stream.linear.scatter [tilespmem:s19], [sflag:$0x2], $0x4000, $0x38;
	[tilespmem:$0x1D000] =	vst v63  }
0x65: {  	_ =	swait.ge [sflag:s20], $0x4000  }
0x66: {  	[sflag:s20] =	ssyncset.done $0x0  }
0x67: {  	[sflag:s20] =	ssyncadd.s32 $0xFFFFC000  }
0x68: {  	[tilespmem:s19], [sflag:$0x2] =	stream.linear.gather [spmem:s9], $0x4000, $0x38;
	[tilespmem:$0x1D000] =	vst v63  }
0x69: {  	_ =	swait.ge [sflag:s20], $0x4000  }
0x6a: {  	[sflag:s20] =	ssyncset.done $0x0  }
0x6b: {  	[sflag:s20] =	ssyncadd.s32 $0xFFFFC000  }
0x6c: {  	[hbm4b:s16+s3] =	stream.linear.scatter [tilespmem:s19], [sflag:$0x2], $0x4000, $0x38;
	[tilespmem:$0x1D000] =	vst v63  }
0x6d: {  	_ =	swait.ge [sflag:s20], $0x4000  }
0x6e: {  	[sflag:s20] =	ssyncset.done $0x0  }
0x6f: {  	[sflag:s20] =	ssyncadd.s32 $0xFFFFC000  }
0x70: {  	[tilespmem:s19], [sflag:$0x2] =	stream.linear.gather [spmem:s10], $0x4000, $0x38;
	[tilespmem:$0x1D000] =	vst v63  }
0x71: {  	s24 =	sadd.s32 $0x1, s24;
	_ =	swait.ge [sflag:s20], $0x4000  }
0x72: {  	p0 =	sne.s32 s24, s18;
	[sflag:s20] =	ssyncset.done $0x0  }
.Ltmp1:
0x73: {  	[sflag:s20] =	ssyncadd.s32 $0xFFFFC000;
	(pc) =	sbr.rel @p0 .LBB2_1-.Ltmp1, $4  }
0x74: {  	[hbm4b:s17+s3] =	stream.linear.scatter [tilespmem:s19], [sflag:$0x2], $0x4000, $0x38;
	[tilespmem:$0x1D000] =	vst v63  }
0x75: {  	_ =	swait.ge [sflag:s20], $0x4000  }
0x76: {  	[sflag:s20] =	ssyncset.done $0x0  }
0x77: {  	[sflag:s20] =	ssyncadd.s32 $0xFFFFC000  }
0x78: {  	_ =	sfence.sel $0x180000  }
0x79: {  	[bflag:$0x0] =	sbarrier.arrive $0xFFFF  }
0x7a: {  	p0 =	sne.s32 s0, $0x0;
	_ =	strace $0x9000004A  }
0x7b: {  	s0 =	sadd.s32 @!p0 $0x100000, s1;
	[bflag:$0x2] =	sbarrier.arrive $0xFFFF  }
0x7c: {  	[sflag:s0] =	ssyncadd.tile.s32 @!p0 $0x1;
	_ =	shalt  }
.Lfunc_end2:
_tile_overlayer_lowered:
.L_overlay_start_2:
0x7d: {  	(tag) =	ssettag $0x2  }
0x7e: {  	s0 =	rddreg [dreg:$0x0];
	s2 =	stileid.u32  }
0x7f: {  	s1 =	rddreg [dreg:$0x1];
	p0 =	sne.s32 s2, $0x0  }
0x80: {  	s3 =	rddreg [dreg:$0x2];
	[bflag:$0x3] =	sbarrier.arrive $0xFFFF;
	s2 =	simm.s32 @!p0 $0x1C02  }
0x81: {  	[timem:s3], [sflag:s2] =	dma.local @!p0 [hbm:s0], s1  }
0x82: {  	s0 =	simm.s32 @!p0 $0x2  }
0x83: {  	_ =	swait.ge @!p0 [sflag:s0], s1  }
0x84: {  	s1 =	ssub.s32 @!p0 $0x0, s1;
	[sflag:s0] =	ssyncset.done @!p0 $0x0  }
0x85: {  	[sflag:s0] =	ssyncadd.s32 @!p0 s1  }
0x86: {  	[bflag:$0x3] =	sbarrier.arrive $0xFFFF  }
0x87: {  	_ =	shalt  }

</sc_bundles>
